<compile_context>
chip_gen: v7x
topology: tpu7x:2x2x1
jax: 0.10.2.dev20260603
libtpu: 0.0.44.dev20260713+nightly
codegen_flags: <defaults>
</compile_context>

<pallas_src>
import jax
import jax.numpy as jnp
from jax import lax
from jax.experimental import pallas as pl
from jax.experimental.pallas import tpu as pltpu
from jax.experimental.pallas import tpu_sc as plsc

VOCAB = 1000000
EMBED = 64
BATCH = 16384
IDX_MINOR = 128
L = 16
NW = 32
BPW = BATCH // NW
NCH = BPW // IDX_MINOR
CHUNK = 32768


def _mm_kernel(t_blk, w_blk, p0, p1, p2, p3):
    x = t_blk[...]
    w = w_blk[...]
    y = lax.dot_general(w, x, (((0,), (0,)), ((), ())),
                        preferred_element_type=jnp.float32)
    p0[...] = y[0, :]
    p1[...] = y[1, :]
    p2[...] = y[2, :]
    p3[...] = y[3, :]


def _sc_kernel(p0, p1, p2, p3, h2, t2, bsp, out0, out1,
               hidx, tidx, g0, g1, g2, g3, bv, o0v, o1v, sem):
    wid = lax.axis_index("s") * 2 + lax.axis_index("c")

    pltpu.sync_copy(h2.at[pl.ds(wid * NCH, NCH)], hidx)
    pltpu.sync_copy(t2.at[pl.ds(wid * NCH, NCH)], tidx)
    pltpu.sync_copy(bsp, bv)

    copies = []
    for k in range(NCH):
        sl = pl.ds(IDX_MINOR * k, IDX_MINOR)
        copies.append(pltpu.async_copy(p0.at[hidx.at[k]], g0.at[sl], sem))
        copies.append(pltpu.async_copy(p1.at[hidx.at[k]], g1.at[sl], sem))
        copies.append(pltpu.async_copy(p2.at[tidx.at[k]], g2.at[sl], sem))
        copies.append(pltpu.async_copy(p3.at[tidx.at[k]], g3.at[sl], sem))
    for c in copies:
        c.wait()

    b0 = bv[0, pl.ds(0, L)]
    b1 = bv[1, pl.ds(0, L)]

    def body(sv, carry):
        sl = pl.ds(sv * L, L)
        o0v[sl] = g0[sl] + g2[sl] + b0
        o1v[sl] = g1[sl] + g3[sl] + b1
        return carry

    lax.fori_loop(0, BPW // L, body, 0)

    pltpu.sync_copy(o0v, out0.at[pl.ds(wid * BPW, BPW)])
    pltpu.sync_copy(o1v, out1.at[pl.ds(wid * BPW, BPW)])


def kernel(head, tail, table, fc_w, fc_b):
    tT = table.T
    w8 = jnp.zeros((EMBED, 8), jnp.float32)
    w8 = w8.at[:, 0].set(fc_w[:EMBED, 0]).at[:, 1].set(fc_w[:EMBED, 1])
    w8 = w8.at[:, 2].set(fc_w[EMBED:, 0]).at[:, 3].set(fc_w[EMBED:, 1])

    grid = pl.cdiv(VOCAB, CHUNK)
    planes = pl.pallas_call(
        _mm_kernel,
        grid=(grid,),
        in_specs=[
            pl.BlockSpec((EMBED, CHUNK), lambda i: (0, i)),
            pl.BlockSpec((EMBED, 8), lambda i: (0, 0)),
        ],
        out_specs=[pl.BlockSpec((CHUNK,), lambda i: (i,))] * 4,
        out_shape=[jax.ShapeDtypeStruct((VOCAB,), jnp.float32)] * 4,
    )(tT, w8)
    p0, p1, p2, p3 = planes

    h2 = head.reshape(BATCH // IDX_MINOR, IDX_MINOR)
    t2 = tail.reshape(BATCH // IDX_MINOR, IDX_MINOR)
    bsp = jnp.broadcast_to(fc_b[:, None], (2, L))

    mesh = plsc.VectorSubcoreMesh(core_axis_name="c", subcore_axis_name="s")
    run = pl.kernel(
        _sc_kernel,
        mesh=mesh,
        compiler_params=pltpu.CompilerParams(
            needs_layout_passes=False, use_tc_tiling_on_sc=False),
        out_type=[
            jax.ShapeDtypeStruct((BATCH,), jnp.float32),
            jax.ShapeDtypeStruct((BATCH,), jnp.float32),
        ],
        scratch_types=[
            pltpu.VMEM((NCH, IDX_MINOR), jnp.int32),
            pltpu.VMEM((NCH, IDX_MINOR), jnp.int32),
            pltpu.VMEM((BPW,), jnp.float32),
            pltpu.VMEM((BPW,), jnp.float32),
            pltpu.VMEM((BPW,), jnp.float32),
            pltpu.VMEM((BPW,), jnp.float32),
            pltpu.VMEM((2, L), jnp.float32),
            pltpu.VMEM((BPW,), jnp.float32),
            pltpu.VMEM((BPW,), jnp.float32),
            pltpu.SemaphoreType.DMA,
        ],
    )
    o0, o1 = run(p0, p1, p2, p3, h2, t2, bsp)
    return jnp.stack([o0, o1], axis=1)

# --- scband reference (transcript-rebuilt; emitter-appended) ---
"""Pipeline reference for scband-retrofit-57294863728858 (READ-ONLY COPY).

The authoritative reference and input builder live on the scoring server;
editing this copy changes nothing except your own understanding.
"""

import jax, jax.numpy as jnp
import numpy as np

VOCAB = 1000000
EMBED_DIM = 64
BATCH = 16384

def setup_inputs(seed: int = 0) -> dict:
    key = jax.random.key(seed)
    k1, k2, k3, k4 = jax.random.split(key, 4)
    head = jax.random.randint(k1, (BATCH,), 0, VOCAB, dtype=jnp.int64 if jax.config.jax_enable_x64 else jnp.int32).astype(jnp.int32)
    tail = jax.random.randint(k2, (BATCH,), 0, VOCAB, dtype=jnp.int32)
    table = jax.random.normal(k3, (VOCAB, EMBED_DIM), dtype=jnp.float32) * 0.02
    fc_w = jax.random.normal(k4, (2 * EMBED_DIM, 2), dtype=jnp.float32) * 0.02
    fc_b = jnp.zeros((2,), dtype=jnp.float32)
    return {"head": head, "tail": tail, "table": table, "fc_w": fc_w, "fc_b": fc_b}

def reference(head, tail, table, fc_w, fc_b):
    # embedding lookups (gather)
    head_embedding = jnp.take(table, head, axis=0)
    tail_embedding = jnp.take(table, tail, axis=0)
    # concat along feature dim
    embeddings = jnp.concatenate((head_embedding, tail_embedding), axis=1)
    # linear layer: 2*embed_dim -> 2
    output = embeddings @ fc_w + fc_b
    return output

if __name__ == "__main__":
    import jax
    _d = setup_inputs()
    print(jax.jit(kernel)(*tuple(_d.values())))

</pallas_src>

<mosaic_0001>
#map = affine_map<(d0, d1) -> (0)>
#map1 = affine_map<(d0, d1) -> (0, 0)>
module attributes {stable_mosaic.version = 14 : i64} {
  func.func @_sc_kernel(%arg0: i32, %arg1: i32, %arg2: memref<1000000xf32, #tpu.memory_space<hbm>>, %arg3: memref<1000000xf32, #tpu.memory_space<hbm>>, %arg4: memref<1000000xf32, #tpu.memory_space<hbm>>, %arg5: memref<1000000xf32, #tpu.memory_space<hbm>>, %arg6: memref<128x128xi32, #tpu.memory_space<hbm>>, %arg7: memref<128x128xi32, #tpu.memory_space<hbm>>, %arg8: memref<2x16xf32, #tpu.memory_space<hbm>>, %arg9: memref<16384xf32, #tpu.memory_space<hbm>>, %arg10: memref<16384xf32, #tpu.memory_space<hbm>>, %arg11: memref<4x128xi32, #tpu.memory_space<vmem>>, %arg12: memref<4x128xi32, #tpu.memory_space<vmem>>, %arg13: memref<512xf32, #tpu.memory_space<vmem>>, %arg14: memref<512xf32, #tpu.memory_space<vmem>>, %arg15: memref<512xf32, #tpu.memory_space<vmem>>, %arg16: memref<512xf32, #tpu.memory_space<vmem>>, %arg17: memref<2x16xf32, #tpu.memory_space<vmem>>, %arg18: memref<512xf32, #tpu.memory_space<vmem>>, %arg19: memref<512xf32, #tpu.memory_space<vmem>>, %arg20: memref<!tpu.dma_semaphore, #tpu.memory_space<semaphore_mem>>) attributes {dimension_semantics = [#tpu.dimension_semantics<core_parallel>, #tpu.dimension_semantics<subcore_parallel>], iteration_bounds = array<i64: 2, 16>, scalar_prefetch = 0 : i64, scratch_operands = 10 : i64, tpu.core_type = #tpu.core_type<sc_vector_subcore>, window_params = [{transform_indices = #map}, {transform_indices = #map}, {transform_indices = #map}, {transform_indices = #map}, {transform_indices = #map1}, {transform_indices = #map1}, {transform_indices = #map1}, {transform_indices = #map}, {transform_indices = #map}]} {
    %mul3A = arith.constant 2 : i32
    %mul3A_0 = arith.muli %arg1, %mul3A : i32
    %add3A = arith.addi %mul3A_0, %arg0 : i32
    %mul3A_1 = arith.constant 4 : i32
    %mul3A_2 = arith.muli %add3A, %mul3A_1 : i32
    "tpu.region"() ({
      %run_scoped3A = tpu.sem_alloc : memref<!tpu.dma_semaphore, #tpu.memory_space<semaphore_mem>>
      %dma_start3A_275 = arith.constant 0 : i32
      %dma_start3A_276 = tpu.memref_slice %arg6[%mul3A_2, %dma_start3A_275] : memref<128x128xi32, #tpu.memory_space<hbm>> -> memref<4x128xi32, #tpu.memory_space<hbm>>
      %dma_start3A_277 = arith.constant 0 : i32
      %dma_start3A_278 = tpu.memref_slice %arg6[%mul3A_2, %dma_start3A_277] : memref<128x128xi32, #tpu.memory_space<hbm>> -> memref<4x128xi32, #tpu.memory_space<hbm>>
      tpu.enqueue_dma source(%dma_start3A_278 : memref<4x128xi32, #tpu.memory_space<hbm>>) target(%arg11 : memref<4x128xi32, #tpu.memory_space<vmem>>) target_semaphore(%run_scoped3A : memref<!tpu.dma_semaphore, #tpu.memory_space<semaphore_mem>>)
      %dma_wait3A_279 = arith.constant 0 : i32
      %dma_wait3A_280 = tpu.memref_slice %arg6[%mul3A_2, %dma_wait3A_279] : memref<128x128xi32, #tpu.memory_space<hbm>> -> memref<4x128xi32, #tpu.memory_space<hbm>>
      %dma_wait3A_281 = arith.constant 0 : i32
      %dma_wait3A_282 = tpu.memref_slice %arg6[%mul3A_2, %dma_wait3A_281] : memref<128x128xi32, #tpu.memory_space<hbm>> -> memref<4x128xi32, #tpu.memory_space<hbm>>
      tpu.wait_dma2 semaphore(%run_scoped3A : memref<!tpu.dma_semaphore, #tpu.memory_space<semaphore_mem>>) src(%dma_wait3A_282 : memref<4x128xi32, #tpu.memory_space<hbm>>) dst(%arg11 : memref<4x128xi32, #tpu.memory_space<vmem>>)
      tpu.yield
    }) : () -> ()
    %mul3A_3 = arith.constant 4 : i32
    %mul3A_4 = arith.muli %add3A, %mul3A_3 : i32
    "tpu.region"() ({
      %run_scoped3A = tpu.sem_alloc : memref<!tpu.dma_semaphore, #tpu.memory_space<semaphore_mem>>
      %dma_start3A_275 = arith.constant 0 : i32
      %dma_start3A_276 = tpu.memref_slice %arg7[%mul3A_4, %dma_start3A_275] : memref<128x128xi32, #tpu.memory_space<hbm>> -> memref<4x128xi32, #tpu.memory_space<hbm>>
      %dma_start3A_277 = arith.constant 0 : i32
      %dma_start3A_278 = tpu.memref_slice %arg7[%mul3A_4, %dma_start3A_277] : memref<128x128xi32, #tpu.memory_space<hbm>> -> memref<4x128xi32, #tpu.memory_space<hbm>>
      tpu.enqueue_dma source(%dma_start3A_278 : memref<4x128xi32, #tpu.memory_space<hbm>>) target(%arg12 : memref<4x128xi32, #tpu.memory_space<vmem>>) target_semaphore(%run_scoped3A : memref<!tpu.dma_semaphore, #tpu.memory_space<semaphore_mem>>)
      %dma_wait3A_279 = arith.constant 0 : i32
      %dma_wait3A_280 = tpu.memref_slice %arg7[%mul3A_4, %dma_wait3A_279] : memref<128x128xi32, #tpu.memory_space<hbm>> -> memref<4x128xi32, #tpu.memory_space<hbm>>
      %dma_wait3A_281 = arith.constant 0 : i32
      %dma_wait3A_282 = tpu.memref_slice %arg7[%mul3A_4, %dma_wait3A_281] : memref<128x128xi32, #tpu.memory_space<hbm>> -> memref<4x128xi32, #tpu.memory_space<hbm>>
      tpu.wait_dma2 semaphore(%run_scoped3A : memref<!tpu.dma_semaphore, #tpu.memory_space<semaphore_mem>>) src(%dma_wait3A_282 : memref<4x128xi32, #tpu.memory_space<hbm>>) dst(%arg12 : memref<4x128xi32, #tpu.memory_space<vmem>>)
      tpu.yield
    }) : () -> ()
    "tpu.region"() ({
      %run_scoped3A = tpu.sem_alloc : memref<!tpu.dma_semaphore, #tpu.memory_space<semaphore_mem>>
      tpu.enqueue_dma source(%arg8 : memref<2x16xf32, #tpu.memory_space<hbm>>) target(%arg17 : memref<2x16xf32, #tpu.memory_space<vmem>>) target_semaphore(%run_scoped3A : memref<!tpu.dma_semaphore, #tpu.memory_space<semaphore_mem>>)
      tpu.wait_dma2 semaphore(%run_scoped3A : memref<!tpu.dma_semaphore, #tpu.memory_space<semaphore_mem>>) src(%arg8 : memref<2x16xf32, #tpu.memory_space<hbm>>) dst(%arg17 : memref<2x16xf32, #tpu.memory_space<vmem>>)
      tpu.yield
    }) : () -> ()
    %dma_start3A = arith.constant 0 : i32
    %dma_start3A_5 = arith.constant 0 : i32
    %dma_start3A_6 = tpu.memref_slice %arg13[%dma_start3A_5] : memref<512xf32, #tpu.memory_space<vmem>> -> memref<128xf32, #tpu.memory_space<vmem>>
    %dma_start3A_7 = arith.constant 0 : i32
    %dma_start3A_8 = tpu.memref_slice %arg11[%dma_start3A, %dma_start3A_7] : memref<4x128xi32, #tpu.memory_space<vmem>> -> memref<1x128xi32, #tpu.memory_space<vmem>>
    %dma_start3A_9 = tpu.memref_squeeze %dma_start3A_8 : memref<1x128xi32, #tpu.memory_space<vmem>> -> memref<128xi32, #tpu.memory_space<vmem>>
    %dma_start3A_10 = arith.constant 0 : i32
    %dma_start3A_11 = tpu.memref_slice %arg2[%dma_start3A_10] : memref<1000000xf32, #tpu.memory_space<hbm>> -> memref<1000000xf32, #tpu.memory_space<hbm>>
    tpu.enqueue_indirect_dma source(%dma_start3A_11 : memref<1000000xf32, #tpu.memory_space<hbm>>) target(%dma_start3A_6 : memref<128xf32, #tpu.memory_space<vmem>>) offsets(%dma_start3A_9 : memref<128xi32, #tpu.memory_space<vmem>>) semaphore(%arg20 : memref<!tpu.dma_semaphore, #tpu.memory_space<semaphore_mem>>)
    %dma_start3A_12 = arith.constant 0 : i32
    %dma_start3A_13 = arith.constant 0 : i32
    %dma_start3A_14 = tpu.memref_slice %arg14[%dma_start3A_13] : memref<512xf32, #tpu.memory_space<vmem>> -> memref<128xf32, #tpu.memory_space<vmem>>
    %dma_start3A_15 = arith.constant 0 : i32
    %dma_start3A_16 = tpu.memref_slice %arg11[%dma_start3A_12, %dma_start3A_15] : memref<4x128xi32, #tpu.memory_space<vmem>> -> memref<1x128xi32, #tpu.memory_space<vmem>>
    %dma_start3A_17 = tpu.memref_squeeze %dma_start3A_16 : memref<1x128xi32, #tpu.memory_space<vmem>> -> memref<128xi32, #tpu.memory_space<vmem>>
    %dma_start3A_18 = arith.constant 0 : i32
    %dma_start3A_19 = tpu.memref_slice %arg3[%dma_start3A_18] : memref<1000000xf32, #tpu.memory_space<hbm>> -> memref<1000000xf32, #tpu.memory_space<hbm>>
    tpu.enqueue_indirect_dma source(%dma_start3A_19 : memref<1000000xf32, #tpu.memory_space<hbm>>) target(%dma_start3A_14 : memref<128xf32, #tpu.memory_space<vmem>>) offsets(%dma_start3A_17 : memref<128xi32, #tpu.memory_space<vmem>>) semaphore(%arg20 : memref<!tpu.dma_semaphore, #tpu.memory_space<semaphore_mem>>)
    %dma_start3A_20 = arith.constant 0 : i32
    %dma_start3A_21 = arith.constant 0 : i32
    %dma_start3A_22 = tpu.memref_slice %arg15[%dma_start3A_21] : memref<512xf32, #tpu.memory_space<vmem>> -> memref<128xf32, #tpu.memory_space<vmem>>
    %dma_start3A_23 = arith.constant 0 : i32
    %dma_start3A_24 = tpu.memref_slice %arg12[%dma_start3A_20, %dma_start3A_23] : memref<4x128xi32, #tpu.memory_space<vmem>> -> memref<1x128xi32, #tpu.memory_space<vmem>>
    %dma_start3A_25 = tpu.memref_squeeze %dma_start3A_24 : memref<1x128xi32, #tpu.memory_space<vmem>> -> memref<128xi32, #tpu.memory_space<vmem>>
    %dma_start3A_26 = arith.constant 0 : i32
    %dma_start3A_27 = tpu.memref_slice %arg4[%dma_start3A_26] : memref<1000000xf32, #tpu.memory_space<hbm>> -> memref<1000000xf32, #tpu.memory_space<hbm>>
    tpu.enqueue_indirect_dma source(%dma_start3A_27 : memref<1000000xf32, #tpu.memory_space<hbm>>) target(%dma_start3A_22 : memref<128xf32, #tpu.memory_space<vmem>>) offsets(%dma_start3A_25 : memref<128xi32, #tpu.memory_space<vmem>>) semaphore(%arg20 : memref<!tpu.dma_semaphore, #tpu.memory_space<semaphore_mem>>)
    %dma_start3A_28 = arith.constant 0 : i32
    %dma_start3A_29 = arith.constant 0 : i32
    %dma_start3A_30 = tpu.memref_slice %arg16[%dma_start3A_29] : memref<512xf32, #tpu.memory_space<vmem>> -> memref<128xf32, #tpu.memory_space<vmem>>
    %dma_start3A_31 = arith.constant 0 : i32
    %dma_start3A_32 = tpu.memref_slice %arg12[%dma_start3A_28, %dma_start3A_31] : memref<4x128xi32, #tpu.memory_space<vmem>> -> memref<1x128xi32, #tpu.memory_space<vmem>>
    %dma_start3A_33 = tpu.memref_squeeze %dma_start3A_32 : memref<1x128xi32, #tpu.memory_space<vmem>> -> memref<128xi32, #tpu.memory_space<vmem>>
    %dma_start3A_34 = arith.constant 0 : i32
    %dma_start3A_35 = tpu.memref_slice %arg5[%dma_start3A_34] : memref<1000000xf32, #tpu.memory_space<hbm>> -> memref<1000000xf32, #tpu.memory_space<hbm>>
    tpu.enqueue_indirect_dma source(%dma_start3A_35 : memref<1000000xf32, #tpu.memory_space<hbm>>) target(%dma_start3A_30 : memref<128xf32, #tpu.memory_space<vmem>>) offsets(%dma_start3A_33 : memref<128xi32, #tpu.memory_space<vmem>>) semaphore(%arg20 : memref<!tpu.dma_semaphore, #tpu.memory_space<semaphore_mem>>)
    %dma_start3A_36 = arith.constant 1 : i32
    %dma_start3A_37 = arith.constant 128 : i32
    %dma_start3A_38 = tpu.memref_slice %arg13[%dma_start3A_37] : memref<512xf32, #tpu.memory_space<vmem>> -> memref<128xf32, #tpu.memory_space<vmem>>
    %dma_start3A_39 = arith.constant 0 : i32
    %dma_start3A_40 = tpu.memref_slice %arg11[%dma_start3A_36, %dma_start3A_39] : memref<4x128xi32, #tpu.memory_space<vmem>> -> memref<1x128xi32, #tpu.memory_space<vmem>>
    %dma_start3A_41 = tpu.memref_squeeze %dma_start3A_40 : memref<1x128xi32, #tpu.memory_space<vmem>> -> memref<128xi32, #tpu.memory_space<vmem>>
    %dma_start3A_42 = arith.constant 0 : i32
    %dma_start3A_43 = tpu.memref_slice %arg2[%dma_start3A_42] : memref<1000000xf32, #tpu.memory_space<hbm>> -> memref<1000000xf32, #tpu.memory_space<hbm>>
    tpu.enqueue_indirect_dma source(%dma_start3A_43 : memref<1000000xf32, #tpu.memory_space<hbm>>) target(%dma_start3A_38 : memref<128xf32, #tpu.memory_space<vmem>>) offsets(%dma_start3A_41 : memref<128xi32, #tpu.memory_space<vmem>>) semaphore(%arg20 : memref<!tpu.dma_semaphore, #tpu.memory_space<semaphore_mem>>)
    %dma_start3A_44 = arith.constant 1 : i32
    %dma_start3A_45 = arith.constant 128 : i32
    %dma_start3A_46 = tpu.memref_slice %arg14[%dma_start3A_45] : memref<512xf32, #tpu.memory_space<vmem>> -> memref<128xf32, #tpu.memory_space<vmem>>
    %dma_start3A_47 = arith.constant 0 : i32
    %dma_start3A_48 = tpu.memref_slice %arg11[%dma_start3A_44, %dma_start3A_47] : memref<4x128xi32, #tpu.memory_space<vmem>> -> memref<1x128xi32, #tpu.memory_space<vmem>>
    %dma_start3A_49 = tpu.memref_squeeze %dma_start3A_48 : memref<1x128xi32, #tpu.memory_space<vmem>> -> memref<128xi32, #tpu.memory_space<vmem>>
    %dma_start3A_50 = arith.constant 0 : i32
    %dma_start3A_51 = tpu.memref_slice %arg3[%dma_start3A_50] : memref<1000000xf32, #tpu.memory_space<hbm>> -> memref<1000000xf32, #tpu.memory_space<hbm>>
    tpu.enqueue_indirect_dma source(%dma_start3A_51 : memref<1000000xf32, #tpu.memory_space<hbm>>) target(%dma_start3A_46 : memref<128xf32, #tpu.memory_space<vmem>>) offsets(%dma_start3A_49 : memref<128xi32, #tpu.memory_space<vmem>>) semaphore(%arg20 : memref<!tpu.dma_semaphore, #tpu.memory_space<semaphore_mem>>)
    %dma_start3A_52 = arith.constant 1 : i32
    %dma_start3A_53 = arith.constant 128 : i32
    %dma_start3A_54 = tpu.memref_slice %arg15[%dma_start3A_53] : memref<512xf32, #tpu.memory_space<vmem>> -> memref<128xf32, #tpu.memory_space<vmem>>
    %dma_start3A_55 = arith.constant 0 : i32
    %dma_start3A_56 = tpu.memref_slice %arg12[%dma_start3A_52, %dma_start3A_55] : memref<4x128xi32, #tpu.memory_space<vmem>> -> memref<1x128xi32, #tpu.memory_space<vmem>>
    %dma_start3A_57 = tpu.memref_squeeze %dma_start3A_56 : memref<1x128xi32, #tpu.memory_space<vmem>> -> memref<128xi32, #tpu.memory_space<vmem>>
    %dma_start3A_58 = arith.constant 0 : i32
    %dma_start3A_59 = tpu.memref_slice %arg4[%dma_start3A_58] : memref<1000000xf32, #tpu.memory_space<hbm>> -> memref<1000000xf32, #tpu.memory_space<hbm>>
    tpu.enqueue_indirect_dma source(%dma_start3A_59 : memref<1000000xf32, #tpu.memory_space<hbm>>) target(%dma_start3A_54 : memref<128xf32, #tpu.memory_space<vmem>>) offsets(%dma_start3A_57 : memref<128xi32, #tpu.memory_space<vmem>>) semaphore(%arg20 : memref<!tpu.dma_semaphore, #tpu.memory_space<semaphore_mem>>)
    %dma_start3A_60 = arith.constant 1 : i32
    %dma_start3A_61 = arith.constant 128 : i32
    %dma_start3A_62 = tpu.memref_slice %arg16[%dma_start3A_61] : memref<512xf32, #tpu.memory_space<vmem>> -> memref<128xf32, #tpu.memory_space<vmem>>
    %dma_start3A_63 = arith.constant 0 : i32
    %dma_start3A_64 = tpu.memref_slice %arg12[%dma_start3A_60, %dma_start3A_63] : memref<4x128xi32, #tpu.memory_space<vmem>> -> memref<1x128xi32, #tpu.memory_space<vmem>>
    %dma_start3A_65 = tpu.memref_squeeze %dma_start3A_64 : memref<1x128xi32, #tpu.memory_space<vmem>> -> memref<128xi32, #tpu.memory_space<vmem>>
    %dma_start3A_66 = arith.constant 0 : i32
    %dma_start3A_67 = tpu.memref_slice %arg5[%dma_start3A_66] : memref<1000000xf32, #tpu.memory_space<hbm>> -> memref<1000000xf32, #tpu.memory_space<hbm>>
    tpu.enqueue_indirect_dma source(%dma_start3A_67 : memref<1000000xf32, #tpu.memory_space<hbm>>) target(%dma_start3A_62 : memref<128xf32, #tpu.memory_space<vmem>>) offsets(%dma_start3A_65 : memref<128xi32, #tpu.memory_space<vmem>>) semaphore(%arg20 : memref<!tpu.dma_semaphore, #tpu.memory_space<semaphore_mem>>)
    %dma_start3A_68 = arith.constant 2 : i32
    %dma_start3A_69 = arith.constant 256 : i32
    %dma_start3A_70 = tpu.memref_slice %arg13[%dma_start3A_69] : memref<512xf32, #tpu.memory_space<vmem>> -> memref<128xf32, #tpu.memory_space<vmem>>
    %dma_start3A_71 = arith.constant 0 : i32
    %dma_start3A_72 = tpu.memref_slice %arg11[%dma_start3A_68, %dma_start3A_71] : memref<4x128xi32, #tpu.memory_space<vmem>> -> memref<1x128xi32, #tpu.memory_space<vmem>>
    %dma_start3A_73 = tpu.memref_squeeze %dma_start3A_72 : memref<1x128xi32, #tpu.memory_space<vmem>> -> memref<128xi32, #tpu.memory_space<vmem>>
    %dma_start3A_74 = arith.constant 0 : i32
    %dma_start3A_75 = tpu.memref_slice %arg2[%dma_start3A_74] : memref<1000000xf32, #tpu.memory_space<hbm>> -> memref<1000000xf32, #tpu.memory_space<hbm>>
    tpu.enqueue_indirect_dma source(%dma_start3A_75 : memref<1000000xf32, #tpu.memory_space<hbm>>) target(%dma_start3A_70 : memref<128xf32, #tpu.memory_space<vmem>>) offsets(%dma_start3A_73 : memref<128xi32, #tpu.memory_space<vmem>>) semaphore(%arg20 : memref<!tpu.dma_semaphore, #tpu.memory_space<semaphore_mem>>)
    %dma_start3A_76 = arith.constant 2 : i32
    %dma_start3A_77 = arith.constant 256 : i32
    %dma_start3A_78 = tpu.memref_slice %arg14[%dma_start3A_77] : memref<512xf32, #tpu.memory_space<vmem>> -> memref<128xf32, #tpu.memory_space<vmem>>
    %dma_start3A_79 = arith.constant 0 : i32
    %dma_start3A_80 = tpu.memref_slice %arg11[%dma_start3A_76, %dma_start3A_79] : memref<4x128xi32, #tpu.memory_space<vmem>> -> memref<1x128xi32, #tpu.memory_space<vmem>>
    %dma_start3A_81 = tpu.memref_squeeze %dma_start3A_80 : memref<1x128xi32, #tpu.memory_space<vmem>> -> memref<128xi32, #tpu.memory_space<vmem>>
    %dma_start3A_82 = arith.constant 0 : i32
    %dma_start3A_83 = tpu.memref_slice %arg3[%dma_start3A_82] : memref<1000000xf32, #tpu.memory_space<hbm>> -> memref<1000000xf32, #tpu.memory_space<hbm>>
    tpu.enqueue_indirect_dma source(%dma_start3A_83 : memref<1000000xf32, #tpu.memory_space<hbm>>) target(%dma_start3A_78 : memref<128xf32, #tpu.memory_space<vmem>>) offsets(%dma_start3A_81 : memref<128xi32, #tpu.memory_space<vmem>>) semaphore(%arg20 : memref<!tpu.dma_semaphore, #tpu.memory_space<semaphore_mem>>)
    %dma_start3A_84 = arith.constant 2 : i32
    %dma_start3A_85 = arith.constant 256 : i32
    %dma_start3A_86 = tpu.memref_slice %arg15[%dma_start3A_85] : memref<512xf32, #tpu.memory_space<vmem>> -> memref<128xf32, #tpu.memory_space<vmem>>
    %dma_start3A_87 = arith.constant 0 : i32
    %dma_start3A_88 = tpu.memref_slice %arg12[%dma_start3A_84, %dma_start3A_87] : memref<4x128xi32, #tpu.memory_space<vmem>> -> memref<1x128xi32, #tpu.memory_space<vmem>>
    %dma_start3A_89 = tpu.memref_squeeze %dma_start3A_88 : memref<1x128xi32, #tpu.memory_space<vmem>> -> memref<128xi32, #tpu.memory_space<vmem>>
    %dma_start3A_90 = arith.constant 0 : i32
    %dma_start3A_91 = tpu.memref_slice %arg4[%dma_start3A_90] : memref<1000000xf32, #tpu.memory_space<hbm>> -> memref<1000000xf32, #tpu.memory_space<hbm>>
    tpu.enqueue_indirect_dma source(%dma_start3A_91 : memref<1000000xf32, #tpu.memory_space<hbm>>) target(%dma_start3A_86 : memref<128xf32, #tpu.memory_space<vmem>>) offsets(%dma_start3A_89 : memref<128xi32, #tpu.memory_space<vmem>>) semaphore(%arg20 : memref<!tpu.dma_semaphore, #tpu.memory_space<semaphore_mem>>)
    %dma_start3A_92 = arith.constant 2 : i32
    %dma_start3A_93 = arith.constant 256 : i32
    %dma_start3A_94 = tpu.memref_slice %arg16[%dma_start3A_93] : memref<512xf32, #tpu.memory_space<vmem>> -> memref<128xf32, #tpu.memory_space<vmem>>
    %dma_start3A_95 = arith.constant 0 : i32
    %dma_start3A_96 = tpu.memref_slice %arg12[%dma_start3A_92, %dma_start3A_95] : memref<4x128xi32, #tpu.memory_space<vmem>> -> memref<1x128xi32, #tpu.memory_space<vmem>>
    %dma_start3A_97 = tpu.memref_squeeze %dma_start3A_96 : memref<1x128xi32, #tpu.memory_space<vmem>> -> memref<128xi32, #tpu.memory_space<vmem>>
    %dma_start3A_98 = arith.constant 0 : i32
    %dma_start3A_99 = tpu.memref_slice %arg5[%dma_start3A_98] : memref<1000000xf32, #tpu.memory_space<hbm>> -> memref<1000000xf32, #tpu.memory_space<hbm>>
    tpu.enqueue_indirect_dma source(%dma_start3A_99 : memref<1000000xf32, #tpu.memory_space<hbm>>) target(%dma_start3A_94 : memref<128xf32, #tpu.memory_space<vmem>>) offsets(%dma_start3A_97 : memref<128xi32, #tpu.memory_space<vmem>>) semaphore(%arg20 : memref<!tpu.dma_semaphore, #tpu.memory_space<semaphore_mem>>)
    %dma_start3A_100 = arith.constant 3 : i32
    %dma_start3A_101 = arith.constant 384 : i32
    %dma_start3A_102 = tpu.memref_slice %arg13[%dma_start3A_101] : memref<512xf32, #tpu.memory_space<vmem>> -> memref<128xf32, #tpu.memory_space<vmem>>
    %dma_start3A_103 = arith.constant 0 : i32
    %dma_start3A_104 = tpu.memref_slice %arg11[%dma_start3A_100, %dma_start3A_103] : memref<4x128xi32, #tpu.memory_space<vmem>> -> memref<1x128xi32, #tpu.memory_space<vmem>>
    %dma_start3A_105 = tpu.memref_squeeze %dma_start3A_104 : memref<1x128xi32, #tpu.memory_space<vmem>> -> memref<128xi32, #tpu.memory_space<vmem>>
    %dma_start3A_106 = arith.constant 0 : i32
    %dma_start3A_107 = tpu.memref_slice %arg2[%dma_start3A_106] : memref<1000000xf32, #tpu.memory_space<hbm>> -> memref<1000000xf32, #tpu.memory_space<hbm>>
    tpu.enqueue_indirect_dma source(%dma_start3A_107 : memref<1000000xf32, #tpu.memory_space<hbm>>) target(%dma_start3A_102 : memref<128xf32, #tpu.memory_space<vmem>>) offsets(%dma_start3A_105 : memref<128xi32, #tpu.memory_space<vmem>>) semaphore(%arg20 : memref<!tpu.dma_semaphore, #tpu.memory_space<semaphore_mem>>)
    %dma_start3A_108 = arith.constant 3 : i32
    %dma_start3A_109 = arith.constant 384 : i32
    %dma_start3A_110 = tpu.memref_slice %arg14[%dma_start3A_109] : memref<512xf32, #tpu.memory_space<vmem>> -> memref<128xf32, #tpu.memory_space<vmem>>
    %dma_start3A_111 = arith.constant 0 : i32
    %dma_start3A_112 = tpu.memref_slice %arg11[%dma_start3A_108, %dma_start3A_111] : memref<4x128xi32, #tpu.memory_space<vmem>> -> memref<1x128xi32, #tpu.memory_space<vmem>>
    %dma_start3A_113 = tpu.memref_squeeze %dma_start3A_112 : memref<1x128xi32, #tpu.memory_space<vmem>> -> memref<128xi32, #tpu.memory_space<vmem>>
    %dma_start3A_114 = arith.constant 0 : i32
    %dma_start3A_115 = tpu.memref_slice %arg3[%dma_start3A_114] : memref<1000000xf32, #tpu.memory_space<hbm>> -> memref<1000000xf32, #tpu.memory_space<hbm>>
    tpu.enqueue_indirect_dma source(%dma_start3A_115 : memref<1000000xf32, #tpu.memory_space<hbm>>) target(%dma_start3A_110 : memref<128xf32, #tpu.memory_space<vmem>>) offsets(%dma_start3A_113 : memref<128xi32, #tpu.memory_space<vmem>>) semaphore(%arg20 : memref<!tpu.dma_semaphore, #tpu.memory_space<semaphore_mem>>)
    %dma_start3A_116 = arith.constant 3 : i32
    %dma_start3A_117 = arith.constant 384 : i32
    %dma_start3A_118 = tpu.memref_slice %arg15[%dma_start3A_117] : memref<512xf32, #tpu.memory_space<vmem>> -> memref<128xf32, #tpu.memory_space<vmem>>
    %dma_start3A_119 = arith.constant 0 : i32
    %dma_start3A_120 = tpu.memref_slice %arg12[%dma_start3A_116, %dma_start3A_119] : memref<4x128xi32, #tpu.memory_space<vmem>> -> memref<1x128xi32, #tpu.memory_space<vmem>>
    %dma_start3A_121 = tpu.memref_squeeze %dma_start3A_120 : memref<1x128xi32, #tpu.memory_space<vmem>> -> memref<128xi32, #tpu.memory_space<vmem>>
    %dma_start3A_122 = arith.constant 0 : i32
    %dma_start3A_123 = tpu.memref_slice %arg4[%dma_start3A_122] : memref<1000000xf32, #tpu.memory_space<hbm>> -> memref<1000000xf32, #tpu.memory_space<hbm>>
    tpu.enqueue_indirect_dma source(%dma_start3A_123 : memref<1000000xf32, #tpu.memory_space<hbm>>) target(%dma_start3A_118 : memref<128xf32, #tpu.memory_space<vmem>>) offsets(%dma_start3A_121 : memref<128xi32, #tpu.memory_space<vmem>>) semaphore(%arg20 : memref<!tpu.dma_semaphore, #tpu.memory_space<semaphore_mem>>)
    %dma_start3A_124 = arith.constant 3 : i32
    %dma_start3A_125 = arith.constant 384 : i32
    %dma_start3A_126 = tpu.memref_slice %arg16[%dma_start3A_125] : memref<512xf32, #tpu.memory_space<vmem>> -> memref<128xf32, #tpu.memory_space<vmem>>
    %dma_start3A_127 = arith.constant 0 : i32
    %dma_start3A_128 = tpu.memref_slice %arg12[%dma_start3A_124, %dma_start3A_127] : memref<4x128xi32, #tpu.memory_space<vmem>> -> memref<1x128xi32, #tpu.memory_space<vmem>>
    %dma_start3A_129 = tpu.memref_squeeze %dma_start3A_128 : memref<1x128xi32, #tpu.memory_space<vmem>> -> memref<128xi32, #tpu.memory_space<vmem>>
    %dma_start3A_130 = arith.constant 0 : i32
    %dma_start3A_131 = tpu.memref_slice %arg5[%dma_start3A_130] : memref<1000000xf32, #tpu.memory_space<hbm>> -> memref<1000000xf32, #tpu.memory_space<hbm>>
    tpu.enqueue_indirect_dma source(%dma_start3A_131 : memref<1000000xf32, #tpu.memory_space<hbm>>) target(%dma_start3A_126 : memref<128xf32, #tpu.memory_space<vmem>>) offsets(%dma_start3A_129 : memref<128xi32, #tpu.memory_space<vmem>>) semaphore(%arg20 : memref<!tpu.dma_semaphore, #tpu.memory_space<semaphore_mem>>)
    %dma_wait3A = arith.constant 0 : i32
    %dma_wait3A_132 = arith.constant 0 : i32
    %dma_wait3A_133 = tpu.memref_slice %arg13[%dma_wait3A_132] : memref<512xf32, #tpu.memory_space<vmem>> -> memref<128xf32, #tpu.memory_space<vmem>>
    %dma_wait3A_134 = arith.constant 0 : i32
    %dma_wait3A_135 = tpu.memref_slice %arg11[%dma_wait3A, %dma_wait3A_134] : memref<4x128xi32, #tpu.memory_space<vmem>> -> memref<1x128xi32, #tpu.memory_space<vmem>>
    %dma_wait3A_136 = tpu.memref_squeeze %dma_wait3A_135 : memref<1x128xi32, #tpu.memory_space<vmem>> -> memref<128xi32, #tpu.memory_space<vmem>>
    %dma_wait3A_137 = arith.constant 0 : i32
    %dma_wait3A_138 = tpu.memref_slice %arg2[%dma_wait3A_137] : memref<1000000xf32, #tpu.memory_space<hbm>> -> memref<1000000xf32, #tpu.memory_space<hbm>>
    tpu.wait_indirect_dma semaphore(%arg20 : memref<!tpu.dma_semaphore, #tpu.memory_space<semaphore_mem>>) src(%dma_wait3A_138 : memref<1000000xf32, #tpu.memory_space<hbm>>) dst(%dma_wait3A_133 : memref<128xf32, #tpu.memory_space<vmem>>)
    %dma_wait3A_139 = arith.constant 0 : i32
    %dma_wait3A_140 = arith.constant 0 : i32
    %dma_wait3A_141 = tpu.memref_slice %arg14[%dma_wait3A_140] : memref<512xf32, #tpu.memory_space<vmem>> -> memref<128xf32, #tpu.memory_space<vmem>>
    %dma_wait3A_142 = arith.constant 0 : i32
    %dma_wait3A_143 = tpu.memref_slice %arg11[%dma_wait3A_139, %dma_wait3A_142] : memref<4x128xi32, #tpu.memory_space<vmem>> -> memref<1x128xi32, #tpu.memory_space<vmem>>
    %dma_wait3A_144 = tpu.memref_squeeze %dma_wait3A_143 : memref<1x128xi32, #tpu.memory_space<vmem>> -> memref<128xi32, #tpu.memory_space<vmem>>
    %dma_wait3A_145 = arith.constant 0 : i32
    %dma_wait3A_146 = tpu.memref_slice %arg3[%dma_wait3A_145] : memref<1000000xf32, #tpu.memory_space<hbm>> -> memref<1000000xf32, #tpu.memory_space<hbm>>
    tpu.wait_indirect_dma semaphore(%arg20 : memref<!tpu.dma_semaphore, #tpu.memory_space<semaphore_mem>>) src(%dma_wait3A_146 : memref<1000000xf32, #tpu.memory_space<hbm>>) dst(%dma_wait3A_141 : memref<128xf32, #tpu.memory_space<vmem>>)
    %dma_wait3A_147 = arith.constant 0 : i32
    %dma_wait3A_148 = arith.constant 0 : i32
    %dma_wait3A_149 = tpu.memref_slice %arg15[%dma_wait3A_148] : memref<512xf32, #tpu.memory_space<vmem>> -> memref<128xf32, #tpu.memory_space<vmem>>
    %dma_wait3A_150 = arith.constant 0 : i32
    %dma_wait3A_151 = tpu.memref_slice %arg12[%dma_wait3A_147, %dma_wait3A_150] : memref<4x128xi32, #tpu.memory_space<vmem>> -> memref<1x128xi32, #tpu.memory_space<vmem>>
    %dma_wait3A_152 = tpu.memref_squeeze %dma_wait3A_151 : memref<1x128xi32, #tpu.memory_space<vmem>> -> memref<128xi32, #tpu.memory_space<vmem>>
    %dma_wait3A_153 = arith.constant 0 : i32
    %dma_wait3A_154 = tpu.memref_slice %arg4[%dma_wait3A_153] : memref<1000000xf32, #tpu.memory_space<hbm>> -> memref<1000000xf32, #tpu.memory_space<hbm>>
    tpu.wait_indirect_dma semaphore(%arg20 : memref<!tpu.dma_semaphore, #tpu.memory_space<semaphore_mem>>) src(%dma_wait3A_154 : memref<1000000xf32, #tpu.memory_space<hbm>>) dst(%dma_wait3A_149 : memref<128xf32, #tpu.memory_space<vmem>>)
    %dma_wait3A_155 = arith.constant 0 : i32
    %dma_wait3A_156 = arith.constant 0 : i32
    %dma_wait3A_157 = tpu.memref_slice %arg16[%dma_wait3A_156] : memref<512xf32, #tpu.memory_space<vmem>> -> memref<128xf32, #tpu.memory_space<vmem>>
    %dma_wait3A_158 = arith.constant 0 : i32
    %dma_wait3A_159 = tpu.memref_slice %arg12[%dma_wait3A_155, %dma_wait3A_158] : memref<4x128xi32, #tpu.memory_space<vmem>> -> memref<1x128xi32, #tpu.memory_space<vmem>>
    %dma_wait3A_160 = tpu.memref_squeeze %dma_wait3A_159 : memref<1x128xi32, #tpu.memory_space<vmem>> -> memref<128xi32, #tpu.memory_space<vmem>>
    %dma_wait3A_161 = arith.constant 0 : i32
    %dma_wait3A_162 = tpu.memref_slice %arg5[%dma_wait3A_161] : memref<1000000xf32, #tpu.memory_space<hbm>> -> memref<1000000xf32, #tpu.memory_space<hbm>>
    tpu.wait_indirect_dma semaphore(%arg20 : memref<!tpu.dma_semaphore, #tpu.memory_space<semaphore_mem>>) src(%dma_wait3A_162 : memref<1000000xf32, #tpu.memory_space<hbm>>) dst(%dma_wait3A_157 : memref<128xf32, #tpu.memory_space<vmem>>)
    %dma_wait3A_163 = arith.constant 1 : i32
    %dma_wait3A_164 = arith.constant 128 : i32
    %dma_wait3A_165 = tpu.memref_slice %arg13[%dma_wait3A_164] : memref<512xf32, #tpu.memory_space<vmem>> -> memref<128xf32, #tpu.memory_space<vmem>>
    %dma_wait3A_166 = arith.constant 0 : i32
    %dma_wait3A_167 = tpu.memref_slice %arg11[%dma_wait3A_163, %dma_wait3A_166] : memref<4x128xi32, #tpu.memory_space<vmem>> -> memref<1x128xi32, #tpu.memory_space<vmem>>
    %dma_wait3A_168 = tpu.memref_squeeze %dma_wait3A_167 : memref<1x128xi32, #tpu.memory_space<vmem>> -> memref<128xi32, #tpu.memory_space<vmem>>
    %dma_wait3A_169 = arith.constant 0 : i32
    %dma_wait3A_170 = tpu.memref_slice %arg2[%dma_wait3A_169] : memref<1000000xf32, #tpu.memory_space<hbm>> -> memref<1000000xf32, #tpu.memory_space<hbm>>
    tpu.wait_indirect_dma semaphore(%arg20 : memref<!tpu.dma_semaphore, #tpu.memory_space<semaphore_mem>>) src(%dma_wait3A_170 : memref<1000000xf32, #tpu.memory_space<hbm>>) dst(%dma_wait3A_165 : memref<128xf32, #tpu.memory_space<vmem>>)
    %dma_wait3A_171 = arith.constant 1 : i32
    %dma_wait3A_172 = arith.constant 128 : i32
    %dma_wait3A_173 = tpu.memref_slice %arg14[%dma_wait3A_172] : memref<512xf32, #tpu.memory_space<vmem>> -> memref<128xf32, #tpu.memory_space<vmem>>
    %dma_wait3A_174 = arith.constant 0 : i32
    %dma_wait3A_175 = tpu.memref_slice %arg11[%dma_wait3A_171, %dma_wait3A_174] : memref<4x128xi32, #tpu.memory_space<vmem>> -> memref<1x128xi32, #tpu.memory_space<vmem>>
    %dma_wait3A_176 = tpu.memref_squeeze %dma_wait3A_175 : memref<1x128xi32, #tpu.memory_space<vmem>> -> memref<128xi32, #tpu.memory_space<vmem>>
    %dma_wait3A_177 = arith.constant 0 : i32
    %dma_wait3A_178 = tpu.memref_slice %arg3[%dma_wait3A_177] : memref<1000000xf32, #tpu.memory_space<hbm>> -> memref<1000000xf32, #tpu.memory_space<hbm>>
    tpu.wait_indirect_dma semaphore(%arg20 : memref<!tpu.dma_semaphore, #tpu.memory_space<semaphore_mem>>) src(%dma_wait3A_178 : memref<1000000xf32, #tpu.memory_space<hbm>>) dst(%dma_wait3A_173 : memref<128xf32, #tpu.memory_space<vmem>>)
    %dma_wait3A_179 = arith.constant 1 : i32
    %dma_wait3A_180 = arith.constant 128 : i32
    %dma_wait3A_181 = tpu.memref_slice %arg15[%dma_wait3A_180] : memref<512xf32, #tpu.memory_space<vmem>> -> memref<128xf32, #tpu.memory_space<vmem>>
    %dma_wait3A_182 = arith.constant 0 : i32
    %dma_wait3A_183 = tpu.memref_slice %arg12[%dma_wait3A_179, %dma_wait3A_182] : memref<4x128xi32, #tpu.memory_space<vmem>> -> memref<1x128xi32, #tpu.memory_space<vmem>>
    %dma_wait3A_184 = tpu.memref_squeeze %dma_wait3A_183 : memref<1x128xi32, #tpu.memory_space<vmem>> -> memref<128xi32, #tpu.memory_space<vmem>>
    %dma_wait3A_185 = arith.constant 0 : i32
    %dma_wait3A_186 = tpu.memref_slice %arg4[%dma_wait3A_185] : memref<1000000xf32, #tpu.memory_space<hbm>> -> memref<1000000xf32, #tpu.memory_space<hbm>>
    tpu.wait_indirect_dma semaphore(%arg20 : memref<!tpu.dma_semaphore, #tpu.memory_space<semaphore_mem>>) src(%dma_wait3A_186 : memref<1000000xf32, #tpu.memory_space<hbm>>) dst(%dma_wait3A_181 : memref<128xf32, #tpu.memory_space<vmem>>)
    %dma_wait3A_187 = arith.constant 1 : i32
    %dma_wait3A_188 = arith.constant 128 : i32
    %dma_wait3A_189 = tpu.memref_slice %arg16[%dma_wait3A_188] : memref<512xf32, #tpu.memory_space<vmem>> -> memref<128xf32, #tpu.memory_space<vmem>>
    %dma_wait3A_190 = arith.constant 0 : i32
    %dma_wait3A_191 = tpu.memref_slice %arg12[%dma_wait3A_187, %dma_wait3A_190] : memref<4x128xi32, #tpu.memory_space<vmem>> -> memref<1x128xi32, #tpu.memory_space<vmem>>
    %dma_wait3A_192 = tpu.memref_squeeze %dma_wait3A_191 : memref<1x128xi32, #tpu.memory_space<vmem>> -> memref<128xi32, #tpu.memory_space<vmem>>
    %dma_wait3A_193 = arith.constant 0 : i32
    %dma_wait3A_194 = tpu.memref_slice %arg5[%dma_wait3A_193] : memref<1000000xf32, #tpu.memory_space<hbm>> -> memref<1000000xf32, #tpu.memory_space<hbm>>
    tpu.wait_indirect_dma semaphore(%arg20 : memref<!tpu.dma_semaphore, #tpu.memory_space<semaphore_mem>>) src(%dma_wait3A_194 : memref<1000000xf32, #tpu.memory_space<hbm>>) dst(%dma_wait3A_189 : memref<128xf32, #tpu.memory_space<vmem>>)
    %dma_wait3A_195 = arith.constant 2 : i32
    %dma_wait3A_196 = arith.constant 256 : i32
    %dma_wait3A_197 = tpu.memref_slice %arg13[%dma_wait3A_196] : memref<512xf32, #tpu.memory_space<vmem>> -> memref<128xf32, #tpu.memory_space<vmem>>
    %dma_wait3A_198 = arith.constant 0 : i32
    %dma_wait3A_199 = tpu.memref_slice %arg11[%dma_wait3A_195, %dma_wait3A_198] : memref<4x128xi32, #tpu.memory_space<vmem>> -> memref<1x128xi32, #tpu.memory_space<vmem>>
    %dma_wait3A_200 = tpu.memref_squeeze %dma_wait3A_199 : memref<1x128xi32, #tpu.memory_space<vmem>> -> memref<128xi32, #tpu.memory_space<vmem>>
    %dma_wait3A_201 = arith.constant 0 : i32
    %dma_wait3A_202 = tpu.memref_slice %arg2[%dma_wait3A_201] : memref<1000000xf32, #tpu.memory_space<hbm>> -> memref<1000000xf32, #tpu.memory_space<hbm>>
    tpu.wait_indirect_dma semaphore(%arg20 : memref<!tpu.dma_semaphore, #tpu.memory_space<semaphore_mem>>) src(%dma_wait3A_202 : memref<1000000xf32, #tpu.memory_space<hbm>>) dst(%dma_wait3A_197 : memref<128xf32, #tpu.memory_space<vmem>>)
    %dma_wait3A_203 = arith.constant 2 : i32
    %dma_wait3A_204 = arith.constant 256 : i32
    %dma_wait3A_205 = tpu.memref_slice %arg14[%dma_wait3A_204] : memref<512xf32, #tpu.memory_space<vmem>> -> memref<128xf32, #tpu.memory_space<vmem>>
    %dma_wait3A_206 = arith.constant 0 : i32
    %dma_wait3A_207 = tpu.memref_slice %arg11[%dma_wait3A_203, %dma_wait3A_206] : memref<4x128xi32, #tpu.memory_space<vmem>> -> memref<1x128xi32, #tpu.memory_space<vmem>>
    %dma_wait3A_208 = tpu.memref_squeeze %dma_wait3A_207 : memref<1x128xi32, #tpu.memory_space<vmem>> -> memref<128xi32, #tpu.memory_space<vmem>>
    %dma_wait3A_209 = arith.constant 0 : i32
    %dma_wait3A_210 = tpu.memref_slice %arg3[%dma_wait3A_209] : memref<1000000xf32, #tpu.memory_space<hbm>> -> memref<1000000xf32, #tpu.memory_space<hbm>>
    tpu.wait_indirect_dma semaphore(%arg20 : memref<!tpu.dma_semaphore, #tpu.memory_space<semaphore_mem>>) src(%dma_wait3A_210 : memref<1000000xf32, #tpu.memory_space<hbm>>) dst(%dma_wait3A_205 : memref<128xf32, #tpu.memory_space<vmem>>)
    %dma_wait3A_211 = arith.constant 2 : i32
    %dma_wait3A_212 = arith.constant 256 : i32
    %dma_wait3A_213 = tpu.memref_slice %arg15[%dma_wait3A_212] : memref<512xf32, #tpu.memory_space<vmem>> -> memref<128xf32, #tpu.memory_space<vmem>>
    %dma_wait3A_214 = arith.constant 0 : i32
    %dma_wait3A_215 = tpu.memref_slice %arg12[%dma_wait3A_211, %dma_wait3A_214] : memref<4x128xi32, #tpu.memory_space<vmem>> -> memref<1x128xi32, #tpu.memory_space<vmem>>
    %dma_wait3A_216 = tpu.memref_squeeze %dma_wait3A_215 : memref<1x128xi32, #tpu.memory_space<vmem>> -> memref<128xi32, #tpu.memory_space<vmem>>
    %dma_wait3A_217 = arith.constant 0 : i32
    %dma_wait3A_218 = tpu.memref_slice %arg4[%dma_wait3A_217] : memref<1000000xf32, #tpu.memory_space<hbm>> -> memref<1000000xf32, #tpu.memory_space<hbm>>
    tpu.wait_indirect_dma semaphore(%arg20 : memref<!tpu.dma_semaphore, #tpu.memory_space<semaphore_mem>>) src(%dma_wait3A_218 : memref<1000000xf32, #tpu.memory_space<hbm>>) dst(%dma_wait3A_213 : memref<128xf32, #tpu.memory_space<vmem>>)
    %dma_wait3A_219 = arith.constant 2 : i32
    %dma_wait3A_220 = arith.constant 256 : i32
    %dma_wait3A_221 = tpu.memref_slice %arg16[%dma_wait3A_220] : memref<512xf32, #tpu.memory_space<vmem>> -> memref<128xf32, #tpu.memory_space<vmem>>
    %dma_wait3A_222 = arith.constant 0 : i32
    %dma_wait3A_223 = tpu.memref_slice %arg12[%dma_wait3A_219, %dma_wait3A_222] : memref<4x128xi32, #tpu.memory_space<vmem>> -> memref<1x128xi32, #tpu.memory_space<vmem>>
    %dma_wait3A_224 = tpu.memref_squeeze %dma_wait3A_223 : memref<1x128xi32, #tpu.memory_space<vmem>> -> memref<128xi32, #tpu.memory_space<vmem>>
    %dma_wait3A_225 = arith.constant 0 : i32
    %dma_wait3A_226 = tpu.memref_slice %arg5[%dma_wait3A_225] : memref<1000000xf32, #tpu.memory_space<hbm>> -> memref<1000000xf32, #tpu.memory_space<hbm>>
    tpu.wait_indirect_dma semaphore(%arg20 : memref<!tpu.dma_semaphore, #tpu.memory_space<semaphore_mem>>) src(%dma_wait3A_226 : memref<1000000xf32, #tpu.memory_space<hbm>>) dst(%dma_wait3A_221 : memref<128xf32, #tpu.memory_space<vmem>>)
    %dma_wait3A_227 = arith.constant 3 : i32
    %dma_wait3A_228 = arith.constant 384 : i32
    %dma_wait3A_229 = tpu.memref_slice %arg13[%dma_wait3A_228] : memref<512xf32, #tpu.memory_space<vmem>> -> memref<128xf32, #tpu.memory_space<vmem>>
    %dma_wait3A_230 = arith.constant 0 : i32
    %dma_wait3A_231 = tpu.memref_slice %arg11[%dma_wait3A_227, %dma_wait3A_230] : memref<4x128xi32, #tpu.memory_space<vmem>> -> memref<1x128xi32, #tpu.memory_space<vmem>>
    %dma_wait3A_232 = tpu.memref_squeeze %dma_wait3A_231 : memref<1x128xi32, #tpu.memory_space<vmem>> -> memref<128xi32, #tpu.memory_space<vmem>>
    %dma_wait3A_233 = arith.constant 0 : i32
    %dma_wait3A_234 = tpu.memref_slice %arg2[%dma_wait3A_233] : memref<1000000xf32, #tpu.memory_space<hbm>> -> memref<1000000xf32, #tpu.memory_space<hbm>>
    tpu.wait_indirect_dma semaphore(%arg20 : memref<!tpu.dma_semaphore, #tpu.memory_space<semaphore_mem>>) src(%dma_wait3A_234 : memref<1000000xf32, #tpu.memory_space<hbm>>) dst(%dma_wait3A_229 : memref<128xf32, #tpu.memory_space<vmem>>)
    %dma_wait3A_235 = arith.constant 3 : i32
    %dma_wait3A_236 = arith.constant 384 : i32
    %dma_wait3A_237 = tpu.memref_slice %arg14[%dma_wait3A_236] : memref<512xf32, #tpu.memory_space<vmem>> -> memref<128xf32, #tpu.memory_space<vmem>>
    %dma_wait3A_238 = arith.constant 0 : i32
    %dma_wait3A_239 = tpu.memref_slice %arg11[%dma_wait3A_235, %dma_wait3A_238] : memref<4x128xi32, #tpu.memory_space<vmem>> -> memref<1x128xi32, #tpu.memory_space<vmem>>
    %dma_wait3A_240 = tpu.memref_squeeze %dma_wait3A_239 : memref<1x128xi32, #tpu.memory_space<vmem>> -> memref<128xi32, #tpu.memory_space<vmem>>
    %dma_wait3A_241 = arith.constant 0 : i32
    %dma_wait3A_242 = tpu.memref_slice %arg3[%dma_wait3A_241] : memref<1000000xf32, #tpu.memory_space<hbm>> -> memref<1000000xf32, #tpu.memory_space<hbm>>
    tpu.wait_indirect_dma semaphore(%arg20 : memref<!tpu.dma_semaphore, #tpu.memory_space<semaphore_mem>>) src(%dma_wait3A_242 : memref<1000000xf32, #tpu.memory_space<hbm>>) dst(%dma_wait3A_237 : memref<128xf32, #tpu.memory_space<vmem>>)
    %dma_wait3A_243 = arith.constant 3 : i32
    %dma_wait3A_244 = arith.constant 384 : i32
    %dma_wait3A_245 = tpu.memref_slice %arg15[%dma_wait3A_244] : memref<512xf32, #tpu.memory_space<vmem>> -> memref<128xf32, #tpu.memory_space<vmem>>
    %dma_wait3A_246 = arith.constant 0 : i32
    %dma_wait3A_247 = tpu.memref_slice %arg12[%dma_wait3A_243, %dma_wait3A_246] : memref<4x128xi32, #tpu.memory_space<vmem>> -> memref<1x128xi32, #tpu.memory_space<vmem>>
    %dma_wait3A_248 = tpu.memref_squeeze %dma_wait3A_247 : memref<1x128xi32, #tpu.memory_space<vmem>> -> memref<128xi32, #tpu.memory_space<vmem>>
    %dma_wait3A_249 = arith.constant 0 : i32
    %dma_wait3A_250 = tpu.memref_slice %arg4[%dma_wait3A_249] : memref<1000000xf32, #tpu.memory_space<hbm>> -> memref<1000000xf32, #tpu.memory_space<hbm>>
    tpu.wait_indirect_dma semaphore(%arg20 : memref<!tpu.dma_semaphore, #tpu.memory_space<semaphore_mem>>) src(%dma_wait3A_250 : memref<1000000xf32, #tpu.memory_space<hbm>>) dst(%dma_wait3A_245 : memref<128xf32, #tpu.memory_space<vmem>>)
    %dma_wait3A_251 = arith.constant 3 : i32
    %dma_wait3A_252 = arith.constant 384 : i32
    %dma_wait3A_253 = tpu.memref_slice %arg16[%dma_wait3A_252] : memref<512xf32, #tpu.memory_space<vmem>> -> memref<128xf32, #tpu.memory_space<vmem>>
    %dma_wait3A_254 = arith.constant 0 : i32
    %dma_wait3A_255 = tpu.memref_slice %arg12[%dma_wait3A_251, %dma_wait3A_254] : memref<4x128xi32, #tpu.memory_space<vmem>> -> memref<1x128xi32, #tpu.memory_space<vmem>>
    %dma_wait3A_256 = tpu.memref_squeeze %dma_wait3A_255 : memref<1x128xi32, #tpu.memory_space<vmem>> -> memref<128xi32, #tpu.memory_space<vmem>>
    %dma_wait3A_257 = arith.constant 0 : i32
    %dma_wait3A_258 = tpu.memref_slice %arg5[%dma_wait3A_257] : memref<1000000xf32, #tpu.memory_space<hbm>> -> memref<1000000xf32, #tpu.memory_space<hbm>>
    tpu.wait_indirect_dma semaphore(%arg20 : memref<!tpu.dma_semaphore, #tpu.memory_space<semaphore_mem>>) src(%dma_wait3A_258 : memref<1000000xf32, #tpu.memory_space<hbm>>) dst(%dma_wait3A_253 : memref<128xf32, #tpu.memory_space<vmem>>)
    %get3A = arith.constant 0 : i32
    %get3A_259 = arith.index_cast %get3A : i32 to index
    %get3A_260 = arith.constant 0 : index
    %get3A_261 = tpu.vector_load %arg17[%get3A_259, %get3A_260] {strides = array<i32>} : memref<2x16xf32, #tpu.memory_space<vmem>>, vector<16xf32>,
    %get3A_262 = arith.constant 1 : i32
    %get3A_263 = arith.index_cast %get3A_262 : i32 to index
    %get3A_264 = arith.constant 0 : index
    %get3A_265 = tpu.vector_load %arg17[%get3A_263, %get3A_264] {strides = array<i32>} : memref<2x16xf32, #tpu.memory_space<vmem>>, vector<16xf32>,
    %scan3A = arith.constant 0 : i32
    %scan3A_266 = arith.constant 0 : i32
    %scan3A_267 = arith.constant 32 : i32
    %scan3A_268 = arith.addi %scan3A_266, %scan3A_267 : i32
    %scan3A_269 = arith.constant 1 : i32
    scf.for %scan3A_275 = %scan3A_266 to %scan3A_268 step %scan3A_269  : i32 {
      %mul3A_276 = arith.constant 16 : i32
      %mul3A_277 = arith.muli %scan3A_275, %mul3A_276 : i32
      %get3A_278 = arith.index_cast %mul3A_277 : i32 to index
      %get3A_279 = tpu.vector_load %arg13[%get3A_278] {strides = array<i32>} : memref<512xf32, #tpu.memory_space<vmem>>, vector<16xf32>,
      %get3A_280 = arith.index_cast %mul3A_277 : i32 to index
      %get3A_281 = tpu.vector_load %arg15[%get3A_280] {strides = array<i32>} : memref<512xf32, #tpu.memory_space<vmem>>, vector<16xf32>,
      %add3A_282 = arith.addf %get3A_279, %get3A_281 : vector<16xf32>
      %add3A_283 = arith.addf %add3A_282, %get3A_261 : vector<16xf32>
      %swap3A = arith.index_cast %mul3A_277 : i32 to index
      %swap3A_284 = tpu.vector_load %arg18[%swap3A] {strides = array<i32>} : memref<512xf32, #tpu.memory_space<vmem>>, vector<16xf32>,
      tpu.vector_store %arg18[%swap3A], %add3A_283 {strides = array<i32>} : memref<512xf32, #tpu.memory_space<vmem>>, vector<16xf32>,
      %get3A_285 = arith.index_cast %mul3A_277 : i32 to index
      %get3A_286 = tpu.vector_load %arg14[%get3A_285] {strides = array<i32>} : memref<512xf32, #tpu.memory_space<vmem>>, vector<16xf32>,
      %get3A_287 = arith.index_cast %mul3A_277 : i32 to index
      %get3A_288 = tpu.vector_load %arg16[%get3A_287] {strides = array<i32>} : memref<512xf32, #tpu.memory_space<vmem>>, vector<16xf32>,
      %add3A_289 = arith.addf %get3A_286, %get3A_288 : vector<16xf32>
      %add3A_290 = arith.addf %add3A_289, %get3A_265 : vector<16xf32>
      %swap3A_291 = arith.index_cast %mul3A_277 : i32 to index
      %swap3A_292 = tpu.vector_load %arg19[%swap3A_291] {strides = array<i32>} : memref<512xf32, #tpu.memory_space<vmem>>, vector<16xf32>,
      tpu.vector_store %arg19[%swap3A_291], %add3A_290 {strides = array<i32>} : memref<512xf32, #tpu.memory_space<vmem>>, vector<16xf32>,
    }
    %scan3A_270 = arith.constant 32 : i32
    %mul3A_271 = arith.constant 512 : i32
    %mul3A_272 = arith.muli %add3A, %mul3A_271 : i32
    "tpu.region"() ({
      %run_scoped3A = tpu.sem_alloc : memref<!tpu.dma_semaphore, #tpu.memory_space<semaphore_mem>>
      %dma_start3A_275 = tpu.memref_slice %arg9[%mul3A_272] : memref<16384xf32, #tpu.memory_space<hbm>> -> memref<512xf32, #tpu.memory_space<hbm>>
      %dma_start3A_276 = tpu.memref_slice %arg9[%mul3A_272] : memref<16384xf32, #tpu.memory_space<hbm>> -> memref<512xf32, #tpu.memory_space<hbm>>
      tpu.enqueue_dma source(%arg18 : memref<512xf32, #tpu.memory_space<vmem>>) target(%dma_start3A_276 : memref<512xf32, #tpu.memory_space<hbm>>) target_semaphore(%run_scoped3A : memref<!tpu.dma_semaphore, #tpu.memory_space<semaphore_mem>>)
      %dma_wait3A_277 = tpu.memref_slice %arg9[%mul3A_272] : memref<16384xf32, #tpu.memory_space<hbm>> -> memref<512xf32, #tpu.memory_space<hbm>>
      %dma_wait3A_278 = tpu.memref_slice %arg9[%mul3A_272] : memref<16384xf32, #tpu.memory_space<hbm>> -> memref<512xf32, #tpu.memory_space<hbm>>
      tpu.wait_dma2 semaphore(%run_scoped3A : memref<!tpu.dma_semaphore, #tpu.memory_space<semaphore_mem>>) src(%arg18 : memref<512xf32, #tpu.memory_space<vmem>>) dst(%dma_wait3A_278 : memref<512xf32, #tpu.memory_space<hbm>>)
      tpu.yield
    }) : () -> ()
    %mul3A_273 = arith.constant 512 : i32
    %mul3A_274 = arith.muli %add3A, %mul3A_273 : i32
    "tpu.region"() ({
      %run_scoped3A = tpu.sem_alloc : memref<!tpu.dma_semaphore, #tpu.memory_space<semaphore_mem>>
      %dma_start3A_275 = tpu.memref_slice %arg10[%mul3A_274] : memref<16384xf32, #tpu.memory_space<hbm>> -> memref<512xf32, #tpu.memory_space<hbm>>
      %dma_start3A_276 = tpu.memref_slice %arg10[%mul3A_274] : memref<16384xf32, #tpu.memory_space<hbm>> -> memref<512xf32, #tpu.memory_space<hbm>>
      tpu.enqueue_dma source(%arg19 : memref<512xf32, #tpu.memory_space<vmem>>) target(%dma_start3A_276 : memref<512xf32, #tpu.memory_space<hbm>>) target_semaphore(%run_scoped3A : memref<!tpu.dma_semaphore, #tpu.memory_space<semaphore_mem>>)
      %dma_wait3A_277 = tpu.memref_slice %arg10[%mul3A_274] : memref<16384xf32, #tpu.memory_space<hbm>> -> memref<512xf32, #tpu.memory_space<hbm>>
      %dma_wait3A_278 = tpu.memref_slice %arg10[%mul3A_274] : memref<16384xf32, #tpu.memory_space<hbm>> -> memref<512xf32, #tpu.memory_space<hbm>>
      tpu.wait_dma2 semaphore(%run_scoped3A : memref<!tpu.dma_semaphore, #tpu.memory_space<semaphore_mem>>) src(%arg19 : memref<512xf32, #tpu.memory_space<vmem>>) dst(%dma_wait3A_278 : memref<512xf32, #tpu.memory_space<hbm>>)
      tpu.yield
    }) : () -> ()
    return
  }
}

module attributes {stable_mosaic.version = 14 : i64} {
  func.func @_mm_kernel(%arg0: i32, %arg1: memref<64x32768xf32, #tpu.memory_space<vmem>>, %arg2: memref<64x8xf32, #tpu.memory_space<vmem>>, %arg3: memref<32768xf32, #tpu.memory_space<vmem>>, %arg4: memref<32768xf32, #tpu.memory_space<vmem>>, %arg5: memref<32768xf32, #tpu.memory_space<vmem>>, %arg6: memref<32768xf32, #tpu.memory_space<vmem>>) attributes {dimension_semantics = [#tpu.dimension_semantics<arbitrary>], iteration_bounds = array<i64: 31>, scalar_prefetch = 0 : i64, scratch_operands = 0 : i64, tpu.core_type = #tpu.core_type<tc>, window_params = [{transform_indices = @transform_0, window_bounds = array<i64: 64, 32768>}, {pipeline_mode = #tpu.pipeline_mode<synchronous>, transform_indices = @transform_1, window_bounds = array<i64: 64, 8>}, {transform_indices = @transform_2, window_bounds = array<i64: 32768>}, {transform_indices = @transform_3, window_bounds = array<i64: 32768>}, {transform_indices = @transform_4, window_bounds = array<i64: 32768>}, {transform_indices = @transform_5, window_bounds = array<i64: 32768>}]} {
    %get3A = arith.constant 0 : index
    %get3A_0 = arith.constant 0 : index
    %get3A_1 = vector.load %arg1[%get3A, %get3A_0] : memref<64x32768xf32, #tpu.memory_space<vmem>>, vector<64x32768xf32>
    %get3A_2 = arith.constant 0 : index
    %get3A_3 = arith.constant 0 : index
    %get3A_4 = vector.load %arg2[%get3A_2, %get3A_3] : memref<64x8xf32, #tpu.memory_space<vmem>>, vector<64x8xf32>
    %dot_general3A = arith.constant dense<0.000000e+00> : vector<8x32768xf32>
    %dot_general3A_5 = tpu.matmul %get3A_4, %get3A_1, %dot_general3A {dimension_numbers = #tpu.dot_dimension_numbers<[0], [0], [1], [1], [0, 1, 1, 1], [], []>, transpose_lhs_hint = false} : vector<64x8xf32>, vector<64x32768xf32>, vector<8x32768xf32> -> vector<8x32768xf32>
    %slice3A = vector.extract_strided_slice %dot_general3A_5 {offsets = [0, 0], sizes = [1, 32768], strides = [1, 1]} : vector<8x32768xf32> to vector<1x32768xf32>
    %squeeze3A = vector.shape_cast %slice3A : vector<1x32768xf32> to vector<32768xf32>
    %swap3A = arith.constant 0 : index
    %swap3A_6 = vector.load %arg3[%swap3A] : memref<32768xf32, #tpu.memory_space<vmem>>, vector<32768xf32>
    tpu.vector_store %arg3[%swap3A], %squeeze3A {strides = array<i32>} : memref<32768xf32, #tpu.memory_space<vmem>>, vector<32768xf32>,
    %slice3A_7 = vector.extract_strided_slice %dot_general3A_5 {offsets = [1, 0], sizes = [1, 32768], strides = [1, 1]} : vector<8x32768xf32> to vector<1x32768xf32>
    %squeeze3A_8 = vector.shape_cast %slice3A_7 : vector<1x32768xf32> to vector<32768xf32>
    %swap3A_9 = arith.constant 0 : index
    %swap3A_10 = vector.load %arg4[%swap3A_9] : memref<32768xf32, #tpu.memory_space<vmem>>, vector<32768xf32>
    tpu.vector_store %arg4[%swap3A_9], %squeeze3A_8 {strides = array<i32>} : memref<32768xf32, #tpu.memory_space<vmem>>, vector<32768xf32>,
    %slice3A_11 = vector.extract_strided_slice %dot_general3A_5 {offsets = [2, 0], sizes = [1, 32768], strides = [1, 1]} : vector<8x32768xf32> to vector<1x32768xf32>
    %squeeze3A_12 = vector.shape_cast %slice3A_11 : vector<1x32768xf32> to vector<32768xf32>
    %swap3A_13 = arith.constant 0 : index
    %swap3A_14 = vector.load %arg5[%swap3A_13] : memref<32768xf32, #tpu.memory_space<vmem>>, vector<32768xf32>
    tpu.vector_store %arg5[%swap3A_13], %squeeze3A_12 {strides = array<i32>} : memref<32768xf32, #tpu.memory_space<vmem>>, vector<32768xf32>,
    %slice3A_15 = vector.extract_strided_slice %dot_general3A_5 {offsets = [3, 0], sizes = [1, 32768], strides = [1, 1]} : vector<8x32768xf32> to vector<1x32768xf32>
    %squeeze3A_16 = vector.shape_cast %slice3A_15 : vector<1x32768xf32> to vector<32768xf32>
    %swap3A_17 = arith.constant 0 : index
    %swap3A_18 = vector.load %arg6[%swap3A_17] : memref<32768xf32, #tpu.memory_space<vmem>>, vector<32768xf32>
    tpu.vector_store %arg6[%swap3A_17], %squeeze3A_16 {strides = array<i32>} : memref<32768xf32, #tpu.memory_space<vmem>>, vector<32768xf32>,
    return
  }
  func.func @transform_0(%arg0: i32) -> (i32, i32) {
    %c0_i32 = arith.constant 0 : i32
    %c0_i32_0 = arith.constant 0 : i32
    return %c0_i32, %arg0 : i32, i32
  }
  func.func @transform_1(%arg0: i32) -> (i32, i32) {
    %c0_i32 = arith.constant 0 : i32
    %c0_i32_0 = arith.constant 0 : i32
    %c0_i32_1 = arith.constant 0 : i32
    return %c0_i32, %c0_i32_0 : i32, i32
  }
  func.func @transform_2(%arg0: i32) -> i32 {
    %c0_i32 = arith.constant 0 : i32
    return %arg0 : i32
  }
  func.func @transform_3(%arg0: i32) -> i32 {
    %c0_i32 = arith.constant 0 : i32
    return %arg0 : i32
  }
  func.func @transform_4(%arg0: i32) -> i32 {
    %c0_i32 = arith.constant 0 : i32
    return %arg0 : i32
  }
  func.func @transform_5(%arg0: i32) -> i32 {
    %c0_i32 = arith.constant 0 : i32
    return %arg0 : i32
  }
}

</mosaic_0001>

<sc_bundles>
// kernel: kernel.4.cloned.1.call-start
scs
__scs_entry_jumppad:
0x0: {  	(pc) =	sbr.rel $0x88, $3  }
0x1: {  	(tag) =	ssettag $0x0;
	lr =	simm.s32 $0x1  }
0x2: {  	[smem:$0x3F9C] =	sst lr;
	_ =	strace $0xD0000000  }
0x3: {  	_ = 	snop  }
0x4: {  	_ = 	snop  }
0x5: {  	_ = 	snop  }
0x6: {  	_ = 	snop  }
0x7: {  	_ = 	snop  }
__scs_overlays_trampoline_lowered:
0x8: {  	[smem:$0x3FAB] =	sst s0  }
0x9: {  	[smem:$0x3FAC] =	sst s1  }
0xa: {  	[smem:$0x3FAD] =	sst s2  }
0xb: {  	[smem:$0x3FAE] =	sst s3  }
0xc: {  	[smem:$0x3FAF] =	sst s4  }
0xd: {  	[smem:$0x3FB0] =	sst s5  }
0xe: {  	[smem:$0x3FB1] =	sst s6  }
0xf: {  	[smem:$0x3FB2] =	sst s7  }
0x10: {  	[smem:$0x3FB3] =	sst s8  }
0x11: {  	[smem:$0x3FB4] =	sst s9;
	s0 =	simm.s32 @!p0 $0x0  }
0x12: {  	s1 =	sld [smem:$0x3F9A];
	s0 =	simm.s32 @p0 $0x1  }
0x13: {  	[smem:$0x3FB5] =	sst s0;
	s0 =	simm.s32 @!p1 $0x0  }
0x14: {  	s2 =	sld [smem:$0x3F99];
	s0 =	simm.s32 @p1 $0x1  }
0x15: {  	[smem:$0x3FB6] =	sst s0;
	s0 =	simm.s32 @!p2 $0x0  }
0x16: {  	s3 =	sld [smem:$0x3FDB];
	s0 =	simm.s32 @p2 $0x1  }
0x17: {  	s4 =	simm.s32 $0x1BF5;
	[smem:$0x3FB8] =	sst s0  }
0x18: {  	s0 =	sld [smem:$0x3F9B];
	_ =	swait.ge [sflag:s4], $0x0  }
0x19: {  	s7 =	sld [smem:$0x3F9C]  }
0x1a: {  	s8 =	sadd.s32 $0xFFFFE003, lr  }
0x1b: {  	s9 =	sadd.s32 $0xFFFFFEF7, lr;
	s5 =	simm.s32 $0xFFFFFFFF;
	p2 =	slt.u32 s8, $0xFFFFF086  }
0x1c: {  	p1 =	slt.u32 s9, $0xF7A;
	s5 =	simm.s32 @!p2 $0x0  }
0x1d: {  	s5 =	simm.s32 @p1 $0x1;
	p0 =	seq.s32 s7, s2  }
0x1e: {  	s7 =	smul.u32 @!p0 $0xF7A, s2;
	p2 =	seq.s32 @!p0 s5, $0x0  }
0x1f: {  	s9 =	smul.u32 $0xF7A, s1;
	s8 =	simm.s32 @!p0 $0x1BF5;
	p2 =	por !p2, p0  }
0x20: {  	[sflag:s8] =	ssyncset.s32 @!p0 $0xFFFFF086;
	s6 =	sadd.s32 @!p0 s3, s7;
	s7 =	simm.s32 @!p0 $0x108  }
0x21: {  	s3 =	sadd.s32 s3, s9;
	s6 =	sadd.s32 @!p0 $0x88, s6;
	s7 =	simm.s32 @p2 $0x1082  }
0x22: {  	[simem:s7], [sflag:s8] =	dma.local @!p0 [hbm:s6], $0xF7A  }
0x23: {  	s9 =	sor.u32 $0xD0000000, s2;
	s6 =	simm.s32 $0x108;
	_ =	swait.ge @!p0 [sflag:s8], $0x0  }
0x24: {  	s3 =	sadd.s32 $0x88, s3;
	s6 =	simm.s32 @!p1 $0x1082;
	[sflag:s4] =	ssyncset.s32 $0xFFFFF086  }
0x25: {  	[simem:s6], [sflag:s4] =	dma.local [hbm:s3], $0xF7A  }
0x26: {  	[smem:$0x3F9C] =	sst s1;
	(tag) =	ssettag s2;
	_ =	strace s9  }
0x27: {  	s1 =	sld [smem:$0x3FAC]  }
0x28: {  	s2 =	sld [smem:$0x3FAD]  }
0x29: {  	s4 =	sld [smem:$0x3FAF]  }
0x2a: {  	p0 =	seq.s32 s5, $0x0;
	s5 =	sld [smem:$0x3FB0]  }
0x2b: {  	s6 =	sld [smem:$0x3FB1]  }
0x2c: {  	s7 =	sld [smem:$0x3FB2]  }
0x2d: {  	s3 =	simm.s32 $0x108;
	s8 =	sld [smem:$0x3FB3]  }
0x2e: {  	s3 =	simm.s32 @!p0 $0x1082;
	s9 =	sld [smem:$0x3FB4]  }
0x2f: {  	lr =	sadd.s32 s0, s3;
	s0 =	sld [smem:$0x3FAB]  }
0x30: {  	s3 =	sld [smem:$0x3FAE]  }
0x31: {  	[smem:$0x3FB7] =	sst s10  }
0x32: {  	s10 =	sld [smem:$0x3FB5];
	_ =	sdelay $0x3  }
0x33: {  	p0 =	seq.s32 s10, $0x1;
	s10 =	sld [smem:$0x3FB7];
	_ =	sdelay $0x3  }
0x34: {  	[smem:$0x3FB7] =	sst s10  }
0x35: {  	s10 =	sld [smem:$0x3FB6];
	_ =	sdelay $0x3  }
0x36: {  	p1 =	seq.s32 s10, $0x1;
	s10 =	sld [smem:$0x3FB7];
	_ =	sdelay $0x3  }
0x37: {  	[smem:$0x3FB7] =	sst s10  }
0x38: {  	s10 =	sld [smem:$0x3FB8]  }
0x39: {  	_ = 	snop;
	(pc) =	sbr.ind lr, $3  }
0x3a: {  	_ = 	snop  }
0x3b: {  	_ = 	snop  }
0x3c: {  	p2 =	seq.s32 s10, $0x1;
	s10 =	sld [smem:$0x3FB7]  }
0x3d: {  	_ =	shalt  }
0x3e: {  	_ =	shalt  }
0x3f: {  	_ =	shalt  }
0x40: {  	_ =	shalt  }
0x41: {  	_ =	shalt  }
0x42: {  	_ =	shalt  }
0x43: {  	_ =	shalt  }
0x44: {  	_ =	shalt  }
0x45: {  	_ =	shalt  }
0x46: {  	_ =	shalt  }
0x47: {  	_ =	shalt  }
0x48: {  	_ =	shalt  }
0x49: {  	_ =	shalt  }
0x4a: {  	_ =	shalt  }
0x4b: {  	_ =	shalt  }
0x4c: {  	_ =	shalt  }
0x4d: {  	_ =	shalt  }
0x4e: {  	_ =	shalt  }
0x4f: {  	_ =	shalt  }
0x50: {  	_ =	shalt  }
0x51: {  	_ =	shalt  }
0x52: {  	_ =	shalt  }
0x53: {  	_ =	shalt  }
0x54: {  	_ =	shalt  }
0x55: {  	_ =	shalt  }
0x56: {  	_ =	shalt  }
0x57: {  	_ =	shalt  }
0x58: {  	_ =	shalt  }
0x59: {  	_ =	shalt  }
0x5a: {  	_ =	shalt  }
0x5b: {  	_ =	shalt  }
0x5c: {  	_ =	shalt  }
0x5d: {  	_ =	shalt  }
0x5e: {  	_ =	shalt  }
0x5f: {  	_ =	shalt  }
0x60: {  	_ =	shalt  }
0x61: {  	_ =	shalt  }
0x62: {  	_ =	shalt  }
0x63: {  	_ =	shalt  }
0x64: {  	_ =	shalt  }
0x65: {  	_ =	shalt  }
0x66: {  	_ =	shalt  }
0x67: {  	_ =	shalt  }
0x68: {  	_ =	shalt  }
0x69: {  	_ =	shalt  }
0x6a: {  	_ =	shalt  }
0x6b: {  	_ =	shalt  }
0x6c: {  	_ =	shalt  }
0x6d: {  	_ =	shalt  }
0x6e: {  	_ =	shalt  }
0x6f: {  	_ =	shalt  }
0x70: {  	_ =	shalt  }
0x71: {  	_ =	shalt  }
0x72: {  	_ =	shalt  }
0x73: {  	_ =	shalt  }
0x74: {  	_ =	shalt  }
0x75: {  	_ =	shalt  }
0x76: {  	_ =	shalt  }
0x77: {  	_ =	shalt  }
0x78: {  	_ =	shalt  }
0x79: {  	_ =	shalt  }
0x7a: {  	_ =	shalt  }
0x7b: {  	_ =	shalt  }
0x7c: {  	_ =	shalt  }
0x7d: {  	_ =	shalt  }
0x7e: {  	_ =	shalt  }
0x7f: {  	_ =	shalt  }
0x80: {  	_ =	shalt  }
0x81: {  	_ =	shalt  }
0x82: {  	_ =	shalt  }
0x83: {  	_ =	shalt  }
0x84: {  	_ =	shalt  }
0x85: {  	_ =	shalt  }
0x86: {  	_ =	shalt  }
0x87: {  	_ =	shalt  }
.Lfunc_end0:
.L_simem_size_0:
called_computation_lowered:
.L_overlay_start_0:
0x88: {  	s2 =	sld [smem:$0x3FD9]  }
0x89: {  	s3 =	sld [smem:$0x3FFE];
	_ =	sdelay $0x1  }
0x8a: {  	s1 =	srdreg.scid  }
0x8b: {  	s0 =	sand.u32 $0x1, s1  }
0x8c: {  	s17 =	sshll.u32 s0, $0xA;
	s2 =	sadd.s32 s3, s2  }
0x8d: {  	s2 =	sadd.s32 s2, s17  }
0x8e: {  	[smem:$0x3FC3] =	sst s2  }
0x8f: {  	_ = 	snop  }
0x90: {  	s2 =	sld [smem:$0x3FC9]  }
0x91: {  	s18 =	sld [smem:$0x3FC8];
	(tm) =	ssettm $0x1  }
0x92: {  	s4 =	sld [smem:$0x3FFB];
	_ =	sdelay $0x3  }
0x93: {  	_ =	strace s4  }
0x94: {  	s4 =	sld [smem:$0x3FFC];
	_ =	sdelay $0x3  }
0x95: {  	_ =	strace s4  }
0x96: {  	s4 =	sld [smem:$0x3FFD];
	_ =	sdelay $0x3  }
0x97: {  	_ =	strace s4  }
0x98: {  	_ =	strace $0x8FFFFFFF  }
0x99: {  	s19 =	sld [smem:$0x3FDB];
	_ =	sdelay $0x1  }
0x9a: {  	s5 =	simm.s32 $_scs_section_size  }
0x9b: {  	s6 =	simm.s32 $_size__tile_overlayer_lowered;
	s7 =	simm.s32 $_tile_overlayer_lowered  }
0x9c: {  	s22 =	simm.s32 $0x1BFF;
	s21 =	sshll.u32 s7, $0x1;
	s4 =	sadd.s32 s5, s19  }
0x9d: {  	s8 =	simm.s32 $0x0;
	s20 =	sshll.u32 s6, $0x1;
	s6 =	sadd.s32 s21, s4  }
0x9e: {  	[timem:s8], [sflag:s22] =	dma.local [hbm:s6], s20  }
0x9f: {  	_ =	swait.ge [sflag:s22], s20  }
0xa0: {  	s5 =	ssub.s32 $0x0, s20;
	[sflag:s22] =	ssyncset.done $0x0  }
0xa1: {  	[sflag:s22] =	ssyncadd.s32 s5;
	_ =	sdelay $0x1  }
0xa2: {  	s23 =	simm.s32 $0x1B8B  }
0xa3: {  	_ =	swait.ge [sflag:s23], $0x1  }
0xa4: {  	[sflag:s23] =	ssyncset.done $0x0  }
0xa5: {  	s25 =	simm.s32 $0x1B8E;
	s24 =	sld [smem:$0x3FFE];
	[sflag:s23] =	ssyncadd.s32 $0xFFFFFFFF  }
0xa6: {  	s26 =	simm.s32 $execute0_lowered;
	[smem:$0x3FD2] =	sst s25  }
0xa7: {  	s6 =	sshll.u32 s26, $0x1;
	_ =	strace $0x80000046;
	[dreg:$0x1] =	wrdreg $0xFFFFFFFF  }
0xa8: {  	s28 =	simm.s32 $_size_execute0_lowered;
	s4 =	sadd.s32 s4, s6;
	[dreg:$0x0] =	wrdreg $0x0  }
0xa9: {  	s6 =	sshll.u32 s28, $0x1;
	[dreg:$0x2] =	wrdreg s4  }
0xaa: {  	[dreg:$0x3] =	wrdreg s6  }
0xab: {  	[dreg:$0x4] =	wrdreg $0xC0  }
0xac: {  	_ =	task [dreg:s8], $0x5FFFF  }
0xad: {  	[dreg:$0x1] =	wrdreg $0xFFFFFFFF  }
0xae: {  	[dreg:$0x0] =	wrdreg $0x60  }
0xaf: {  	[dreg:$0x2] =	wrdreg s24  }
0xb0: {  	[dreg:$0x3] =	wrdreg s2  }
0xb1: {  	[dreg:$0x4] =	wrdreg s18  }
0xb2: {  	[dreg:$0x5] =	wrdreg $0x9  }
0xb3: {  	_ =	task.clear_ibuf [dreg:s8], $0x6FFFF;
	_ =	strace $0x90000046  }
0xb4: {  	s29 =	simm.s32 $0x9;
	_ =	strace $0x80000048  }
0xb5: {  	_ =	swait.ge [sflag:s29], $0x1  }
0xb6: {  	[sflag:s29] =	ssyncadd.s32 $0xFFFFFFFF  }
0xb7: {  	_ =	strace $0x90000048  }
0xb8: {  	_ =	sfence  }
0xb9: {  	s30 =	sld [smem:$0x0];
	_ =	sdelay $0x2  }
0xba: {  	s31 =	sshll.u32 s1, $0xD;
	s1 =	sshrl.u32 s1, $0x2  }
0xbb: {  	s3 =	sand.u32 $0x4000, s31;
	s1 =	sadd.s32 s1, s30  }
0xbc: {  	s0 =	sor.u32 s3, s0;
	s1 =	sshll.u32 s1, $0x11  }
0xbd: {  	s0 =	sor.u32 s1, s0  }
0xbe: {  	s0 =	sadd.s32 $0x8F2B, s0  }
0xbf: {  	[sflag:s0] =	ssyncadd.remote.s32 $0x1  }
0xc0: {  	_ =	sfence.sel $0xFFFF  }
0xc1: {  	[dreg:$0x0] =	wrdreg $0xFFFFFFFF;
	(pc) =	sbr.abs _section_cstart, $3  }
0xc2: {  	[dreg:$0x1] =	wrdreg $0xFFFFFFFF  }
0xc3: {  	_ =	task.clear_ibuf [dreg:s8], $0x2FFFF;
	_ =	strace $0x9FFFFFFF  }
0xc4: {  	(tm) =	ssettm $0x7FFFFFFF  }
0xc5: {  	_ =	shalt  }
tec
execute0_lowered:
.L_overlay_start_1:
0x0: {  	(tag) =	ssettag $0x1  }
0x1: {  	s0 =	rddreg [dreg:$0x0]  }
0x2: {  	s3 =	rddreg [dreg:$0x1]  }
0x3: {  	s9 =	rddreg [dreg:$0x2]  }
0x4: {  	s1 =	simm.s32 $0x0;
	s7 =	srdreg.scid;
	s8 =	stileid.u32  }
0x5: {  	s13 =	simm.s32 $0x2;
	s14 =	simm.s32 $0x200;
	s16 =	simm.s32 $0x80  }
0x6: {  	s23 =	simm.s32 $0x280;
	s26 =	simm.s32 $0x100;
	s30 =	simm.s32 $0x300  }
0x7: {  	s15 =	simm.s32 $0x580;
	s17 =	simm.s32 $0x780;
	s18 =	simm.s32 $0x380  }
0x8: {  	s19 =	simm.s32 $0x980;
	s20 =	simm.s32 $0xB80;
	s21 =	simm.s32 $0x1  }
0x9: {  	s22 =	simm.s32 $0xC20;
	s24 =	simm.s32 $0xE20;
	s25 =	simm.s32 $0x0  }
0xa: {  	[smem:$0x7FF] =	sst s1;
	s2 =	sadd.s32 $0x800, s0;
	s4 =	sadd.s32 $0x1F200, s0  }
0xb: {  	s5 =	sadd.s32 $0x3DC00, s0;
	s6 =	sadd.s32 $0x5C600, s0;
	s7 =	sand.u32 $0x1, s7  }
0xc: {  	s8 =	sshll.u32 s8, $0x7;
	s10 =	sshll.u32 s7, $0x6;
	s11 =	ssub.s32 $0x2, s7  }
0xd: {  	_ =	strace $0x80000047;
	s10 =	sor.u32 s10, s8;
	s31 =	sshrl.u32 s11, $0x1  }
0xe: {  	s7 =	sadd.s32 $0x600, s0;
	s0 =	sadd.s32 s10, s0;
	s12 =	ssub.s32 s11, s31  }
0xf: {  	s8 =	sadd.s32 s3, s10;
	s9 =	sadd.s32 s9, s10;
	s3 =	simm.s32 $0x180  }
0x10: {  	s10 =	sadd.s32 $0x7B000, s0;
	s11 =	sadd.s32 $0x7B800, s0;
	s12 =	smax.u32 s12, $0x1  }
.LBB2_1:
0x11: {  	[tilespmem:s1], [sflag:$0x2] =	stream.linear.gather [hbm4b:s8+s1], $0x200, $0x38;
	[tilespmem:$0x1020] =	vst v63  }
0x12: {  	_ =	swait.ge [sflag:s13], $0x200  }
0x13: {  	[sflag:s13] =	ssyncset.done $0x0  }
0x14: {  	[sflag:s13] =	ssyncadd.s32 $0xFFFFFE00  }
0x15: {  	[tilespmem:s14], [sflag:$0x2] =	stream.linear.gather [hbm4b:s9+s1], $0x200, $0x38;
	[tilespmem:$0x1020] =	vst v63  }
0x16: {  	_ =	swait.ge [sflag:s13], $0x200  }
0x17: {  	[sflag:s13] =	ssyncset.done $0x0  }
0x18: {  	s0 =	simm.s32 $0xC00;
	[sflag:s13] =	ssyncadd.s32 $0xFFFFFE00  }
0x19: {  	[tilespmem:s0], [sflag:$0x2] =	stream.linear.gather [hbm4b:s7+s1], $0x20, $0x38;
	[tilespmem:$0x1020] =	vst v63  }
0x1a: {  	_ =	swait.ge [sflag:s13], $0x20  }
0x1b: {  	[sflag:s13] =	ssyncset.done $0x0  }
0x1c: {  	s0 =	simm.s32 $0x400;
	[sflag:s13] =	ssyncadd.s32 $0xFFFFFFE0  }
0x1d: {  	[tilespmem:s0], [sflag:$0x1] =	stream.indirect.gather [hbm4b:s2+s16], $0x1, s1, s16, $0xb8;
	[tilespmem:$0x1020] =	vst v63  }
0x1e: {  	s0 =	simm.s32 $0x600  }
0x1f: {  	[tilespmem:s0], [sflag:$0x1] =	stream.indirect.gather [hbm4b:s4+s16], $0x1, s1, s16, $0xb8;
	[tilespmem:$0x1020] =	vst v63  }
0x20: {  	s0 =	simm.s32 $0x800  }
0x21: {  	[tilespmem:s0], [sflag:$0x1] =	stream.indirect.gather [hbm4b:s5+s16], $0x1, s14, s16, $0xb8;
	[tilespmem:$0x1020] =	vst v63  }
0x22: {  	s0 =	simm.s32 $0xA00  }
0x23: {  	[tilespmem:s0], [sflag:$0x1] =	stream.indirect.gather [hbm4b:s6+s16], $0x1, s14, s16, $0xb8;
	[tilespmem:$0x1020] =	vst v63  }
0x24: {  	s0 =	simm.s32 $0x480  }
0x25: {  	[tilespmem:s0], [sflag:$0x1] =	stream.indirect.gather [hbm4b:s2+s16], $0x1, s16, s16, $0xb8;
	[tilespmem:$0x1020] =	vst v63  }
0x26: {  	s0 =	simm.s32 $0x680  }
0x27: {  	[tilespmem:s0], [sflag:$0x1] =	stream.indirect.gather [hbm4b:s4+s16], $0x1, s16, s16, $0xb8;
	[tilespmem:$0x1020] =	vst v63  }
0x28: {  	s0 =	simm.s32 $0x880  }
0x29: {  	[tilespmem:s0], [sflag:$0x1] =	stream.indirect.gather [hbm4b:s5+s16], $0x1, s23, s16, $0xb8;
	[tilespmem:$0x1020] =	vst v63  }
0x2a: {  	s0 =	simm.s32 $0xA80  }
0x2b: {  	[tilespmem:s0], [sflag:$0x1] =	stream.indirect.gather [hbm4b:s6+s16], $0x1, s23, s16, $0xb8;
	[tilespmem:$0x1020] =	vst v63  }
0x2c: {  	s0 =	simm.s32 $0x500  }
0x2d: {  	[tilespmem:s0], [sflag:$0x1] =	stream.indirect.gather [hbm4b:s2+s16], $0x1, s26, s16, $0xb8;
	[tilespmem:$0x1020] =	vst v63  }
0x2e: {  	s0 =	simm.s32 $0x700  }
0x2f: {  	[tilespmem:s0], [sflag:$0x1] =	stream.indirect.gather [hbm4b:s4+s16], $0x1, s26, s16, $0xb8;
	[tilespmem:$0x1020] =	vst v63  }
0x30: {  	s0 =	simm.s32 $0x900  }
0x31: {  	[tilespmem:s0], [sflag:$0x1] =	stream.indirect.gather [hbm4b:s5+s16], $0x1, s30, s16, $0xb8;
	[tilespmem:$0x1020] =	vst v63  }
0x32: {  	s0 =	simm.s32 $0xB00  }
0x33: {  	[tilespmem:s0], [sflag:$0x1] =	stream.indirect.gather [hbm4b:s6+s16], $0x1, s30, s16, $0xb8;
	[tilespmem:$0x1020] =	vst v63  }
0x34: {  	_ = 	snop  }
0x35: {  	[tilespmem:s15], [sflag:$0x1] =	stream.indirect.gather [hbm4b:s2+s16], $0x1, s3, s16, $0xb8;
	[tilespmem:$0x1020] =	vst v63  }
0x36: {  	_ = 	snop  }
0x37: {  	[tilespmem:s17], [sflag:$0x1] =	stream.indirect.gather [hbm4b:s4+s16], $0x1, s3, s16, $0xb8;
	[tilespmem:$0x1020] =	vst v63  }
0x38: {  	_ = 	snop  }
0x39: {  	[tilespmem:s19], [sflag:$0x1] =	stream.indirect.gather [hbm4b:s5+s16], $0x1, s18, s16, $0xb8;
	[tilespmem:$0x1020] =	vst v63  }
0x3a: {  	_ = 	snop  }
0x3b: {  	[tilespmem:s20], [sflag:$0x1] =	stream.indirect.gather [hbm4b:s6+s16], $0x1, s18, s16, $0xb8;
	[tilespmem:$0x1020] =	vst v63  }
0x3c: {  	_ =	swait.ge [sflag:s21], $0x80  }
0x3d: {  	[sflag:s21] =	ssyncset.done $0x0  }
0x3e: {  	[sflag:s21] =	ssyncadd.s32 $0xFFFFFF80  }
0x3f: {  	_ =	swait.ge [sflag:s21], $0x80  }
0x40: {  	[sflag:s21] =	ssyncset.done $0x0  }
0x41: {  	[sflag:s21] =	ssyncadd.s32 $0xFFFFFF80  }
0x42: {  	_ =	swait.ge [sflag:s21], $0x80  }
0x43: {  	[sflag:s21] =	ssyncset.done $0x0  }
0x44: {  	[sflag:s21] =	ssyncadd.s32 $0xFFFFFF80  }
0x45: {  	_ =	swait.ge [sflag:s21], $0x80  }
0x46: {  	[sflag:s21] =	ssyncset.done $0x0  }
0x47: {  	[sflag:s21] =	ssyncadd.s32 $0xFFFFFF80  }
0x48: {  	_ =	swait.ge [sflag:s21], $0x80  }
0x49: {  	[sflag:s21] =	ssyncset.done $0x0  }
0x4a: {  	[sflag:s21] =	ssyncadd.s32 $0xFFFFFF80  }
0x4b: {  	_ =	swait.ge [sflag:s21], $0x80  }
0x4c: {  	[sflag:s21] =	ssyncset.done $0x0  }
0x4d: {  	[sflag:s21] =	ssyncadd.s32 $0xFFFFFF80  }
0x4e: {  	_ =	swait.ge [sflag:s21], $0x80  }
0x4f: {  	[sflag:s21] =	ssyncset.done $0x0  }
0x50: {  	[sflag:s21] =	ssyncadd.s32 $0xFFFFFF80  }
0x51: {  	_ =	swait.ge [sflag:s21], $0x80  }
0x52: {  	[sflag:s21] =	ssyncset.done $0x0  }
0x53: {  	[sflag:s21] =	ssyncadd.s32 $0xFFFFFF80  }
0x54: {  	_ =	swait.ge [sflag:s21], $0x80  }
0x55: {  	[sflag:s21] =	ssyncset.done $0x0  }
0x56: {  	[sflag:s21] =	ssyncadd.s32 $0xFFFFFF80  }
0x57: {  	_ =	swait.ge [sflag:s21], $0x80  }
0x58: {  	[sflag:s21] =	ssyncset.done $0x0  }
0x59: {  	[sflag:s21] =	ssyncadd.s32 $0xFFFFFF80  }
0x5a: {  	_ =	swait.ge [sflag:s21], $0x80  }
0x5b: {  	[sflag:s21] =	ssyncset.done $0x0  }
0x5c: {  	[sflag:s21] =	ssyncadd.s32 $0xFFFFFF80  }
0x5d: {  	_ =	swait.ge [sflag:s21], $0x80  }
0x5e: {  	[sflag:s21] =	ssyncset.done $0x0  }
0x5f: {  	[sflag:s21] =	ssyncadd.s32 $0xFFFFFF80  }
0x60: {  	_ =	swait.ge [sflag:s21], $0x80  }
0x61: {  	[sflag:s21] =	ssyncset.done $0x0  }
0x62: {  	[sflag:s21] =	ssyncadd.s32 $0xFFFFFF80  }
0x63: {  	_ =	swait.ge [sflag:s21], $0x80  }
0x64: {  	[sflag:s21] =	ssyncset.done $0x0  }
0x65: {  	[sflag:s21] =	ssyncadd.s32 $0xFFFFFF80  }
0x66: {  	_ =	swait.ge [sflag:s21], $0x80  }
0x67: {  	[sflag:s21] =	ssyncset.done $0x0  }
0x68: {  	[sflag:s21] =	ssyncadd.s32 $0xFFFFFF80  }
0x69: {  	_ =	swait.ge [sflag:s21], $0x80  }
0x6a: {  	[sflag:s21] =	ssyncset.done $0x0  }
0x6b: {  	[sflag:s21] =	ssyncadd.s32 $0xFFFFFF80  }
0x6c: {  	s28 =	simm.s32 $0x0;
	v0 =	vld [tilespmem:$0xC10]  }
0x6d: {  	v3 =	vld [tilespmem:s28+$0x600]  }
0x6e: {  	v4 =	vld [tilespmem:s28+$0xA00]  }
0x6f: {  	v5 =	vld [tilespmem:s28+$0x400]  }
0x70: {  	v6 =	vld [tilespmem:s28+$0x800];
	_ =	sdelay $0x1  }
0x71: {  	s29 =	simm.s32 $0x10;
	v1 =	vld [tilespmem:$0xC00]  }
0x72: {  	v2 =	vld [tilespmem:s29+$0x600];
	v7 =	vadd.f32 v4, v3  }
0x73: {  	v4 =	vld [tilespmem:s29+$0xA00]  }
0x74: {  	v3 =	vld [tilespmem:s29+$0x400];
	v6 =	vadd.f32 v6, v5;
	v7 =	vadd.f32 v7, v0  }
0x75: {  	v5 =	vld [tilespmem:s29+$0x800]  }
0x76: {  	s31 =	simm.s32 $0x80;
	v6 =	vadd.f32 v6, v1;
	[tilespmem:s28+$0xE20] =	vst v7  }
.LBB2_2:
0x77: {  	s0 =	sshra.s32 s31, $0x2;
	p0 =	sne.s32 s31, $0x7C0  }
.Ltmp0:
0x78: {  	s31 =	sadd.s32 $0x40, s31;
	v7 =	vadd.f32 v4, v2;
	v2 =	vld [tilespmem:s0+$0x600];
	[tilespmem:s28+$0xC20] =	vst v6;
	(pc) =	sbr.rel @p0 .LBB2_2-.Ltmp0, $4  }
0x79: {  	s28 =	smov.u32 s29;
	s29 =	smov.u32 s0;
	v4 =	vld [tilespmem:s0+$0xA00]  }
0x7a: {  	v6 =	vadd.f32 v5, v3;
	v3 =	vld [tilespmem:s29+$0x400];
	v7 =	vadd.f32 v7, v0  }
0x7b: {  	v5 =	vld [tilespmem:s29+$0x800]  }
0x7c: {  	v6 =	vadd.f32 v6, v1;
	[tilespmem:s28+$0xE20] =	vst v7  }
0x7d: {  	_ =	sdelay $0x1  }
0x7e: {  	v2 =	vadd.f32 v4, v2  }
0x7f: {  	v3 =	vadd.f32 v5, v3  }
0x80: {  	v0 =	vadd.f32 v2, v0  }
0x81: {  	[tilespmem:s28+$0xC20] =	vst v6;
	v1 =	vadd.f32 v3, v1  }
0x82: {  	[tilespmem:s29+$0xE20] =	vst v0  }
0x83: {  	[tilespmem:s29+$0xC20] =	vst v1  }
0x84: {  	[hbm4b:s10+s1] =	stream.linear.scatter [tilespmem:s22], [sflag:$0x2], $0x200, $0x38;
	[tilespmem:$0x1020] =	vst v63  }
0x85: {  	s25 =	sadd.s32 $0x1, s25;
	_ =	swait.ge [sflag:s13], $0x200  }
0x86: {  	p0 =	sne.s32 s25, s12;
	[sflag:s13] =	ssyncset.done $0x0  }
.Ltmp1:
0x87: {  	[sflag:s13] =	ssyncadd.s32 $0xFFFFFE00;
	(pc) =	sbr.rel @p0 .LBB2_1-.Ltmp1, $4  }
0x88: {  	[hbm4b:s11+s1] =	stream.linear.scatter [tilespmem:s24], [sflag:$0x2], $0x200, $0x38;
	[tilespmem:$0x1020] =	vst v63  }
0x89: {  	_ =	swait.ge [sflag:s13], $0x200  }
0x8a: {  	[sflag:s13] =	ssyncset.done $0x0  }
0x8b: {  	[sflag:s13] =	ssyncadd.s32 $0xFFFFFE00  }
0x8c: {  	_ =	sfence.sel $0x180000  }
0x8d: {  	[bflag:$0x0] =	sbarrier.arrive $0xFFFF  }
0x8e: {  	_ =	strace $0x90000047  }
0x8f: {  	s0 =	stileid.u32;
	[bflag:$0x2] =	sbarrier.arrive $0xFFFF  }
0x90: {  	p0 =	sne.s32 s0, $0x0;
	s0 =	rddreg [dreg:$0x3]  }
0x91: {  	s0 =	sadd.s32 @!p0 $0x100000, s0  }
0x92: {  	[sflag:s0] =	ssyncadd.tile.s32 @!p0 $0x1;
	_ =	shalt  }
.Lfunc_end2:
_tile_overlayer_lowered:
.L_overlay_start_2:
0x93: {  	(tag) =	ssettag $0x2  }
0x94: {  	s0 =	rddreg [dreg:$0x0];
	s2 =	stileid.u32  }
0x95: {  	s1 =	rddreg [dreg:$0x1];
	p0 =	sne.s32 s2, $0x0  }
0x96: {  	s3 =	rddreg [dreg:$0x2];
	[bflag:$0x3] =	sbarrier.arrive $0xFFFF;
	s2 =	simm.s32 @!p0 $0x1C02  }
0x97: {  	[timem:s3], [sflag:s2] =	dma.local @!p0 [hbm:s0], s1  }
0x98: {  	s0 =	simm.s32 @!p0 $0x2  }
0x99: {  	_ =	swait.ge @!p0 [sflag:s0], s1  }
0x9a: {  	s1 =	ssub.s32 @!p0 $0x0, s1;
	[sflag:s0] =	ssyncset.done @!p0 $0x0  }
0x9b: {  	[sflag:s0] =	ssyncadd.s32 @!p0 s1  }
0x9c: {  	[bflag:$0x3] =	sbarrier.arrive $0xFFFF  }
0x9d: {  	_ =	shalt  }

</sc_bundles>
